<compile_context>
chip_gen: v7x
topology: tpu7x:2x2x1
jax: 0.10.2.dev20260603
libtpu: 0.0.44.dev20260713+nightly
codegen_flags: <defaults>
</compile_context>

<pallas_src>
import functools

import jax
import jax.numpy as jnp
from jax.experimental import pallas as pl
from jax.experimental.pallas import tpu as pltpu
from jax.experimental.pallas import tpu_sc as plsc

K = 8192
D = 32
TN = 512
TKL = 128
GW = 128
NC = 2
NS = 16
NW = NC * NS
DP = 128


def _argmax_kernel(x_ref, embt_ref, idx_ref):
    x = x_ref[...]
    norm = jnp.sqrt(jnp.sum(x * x, axis=1, keepdims=True))
    xn = x / jnp.maximum(norm, 1e-8)
    n_tiles = K // TKL
    best_v = jnp.dot(xn, embt_ref[:, :TKL],
                     preferred_element_type=jnp.float32)
    best_t = jnp.zeros((TN, TKL), jnp.int32)
    for t in range(1, n_tiles):
        d = jnp.dot(xn, embt_ref[:, t * TKL:(t + 1) * TKL],
                    preferred_element_type=jnp.float32)
        gt = d > best_v
        best_v = jnp.maximum(d, best_v)
        best_t = jnp.where(gt, t * TKL, best_t)
    lane = jax.lax.broadcasted_iota(jnp.int32, (TN, TKL), 1)
    full_idx = best_t + lane
    row_max = jnp.max(best_v, axis=1, keepdims=True)
    cand = jnp.where(best_v == row_max, full_idx, K)
    idx_ref[...] = jnp.min(cand, axis=1)


def _sc_gather_hist(emb_pad, idx, zeros_k, ones_w, n):
    b_per_w = n // NW
    half = b_per_w // 2
    n_chunks = half // GW
    mesh = plsc.VectorSubcoreMesh(core_axis_name="c", subcore_axis_name="s")

    @functools.partial(
        pl.kernel,
        out_type=[
            jax.ShapeDtypeStruct((n, DP), jnp.float32),
            jax.ShapeDtypeStruct((NC, K), jnp.float32),
        ],
        mesh=mesh,
        scratch_types=[
            pltpu.VMEM((b_per_w,), jnp.int32),
            pltpu.VMEM((half, DP), jnp.float32),
            pltpu.VMEM((b_per_w,), jnp.float32),
            pltpu.VMEM_SHARED((K,), jnp.float32),
            pltpu.SemaphoreType.DMA,
            pltpu.SemaphoreType.DMA,
        ],
    )
    def gather_kernel(emb_hbm, idx_hbm, zeros_hbm, ones_hbm, out_hbm,
                      usage_hbm, idx_v, rows_v, ones_v, usage_sh, sem,
                      hsem):
        cid = jax.lax.axis_index("c")
        sid = jax.lax.axis_index("s")
        wid = sid * NC + cid
        base = wid * b_per_w
        pltpu.sync_copy(idx_hbm.at[pl.ds(base, b_per_w)], idx_v)
        pltpu.sync_copy(ones_hbm, ones_v)

        @pl.when(sid == 0)
        def _zero():
            pltpu.sync_copy(zeros_hbm, usage_sh)

        plsc.subcore_barrier()
        hist_copies = [
            pltpu.async_copy(
                ones_v.at[pl.ds(c * GW, GW)],
                usage_sh.at[idx_v.at[pl.ds(c * GW, GW)]],
                hsem,
                add=True,
            )
            for c in range(b_per_w // GW)
        ]
        for h in range(2):
            copies = [
                pltpu.async_copy(
                    emb_hbm.at[idx_v.at[pl.ds(h * half + c * GW, GW)]],
                    rows_v.at[pl.ds(c * GW, GW), :],
                    sem,
                )
                for c in range(n_chunks)
            ]
            for cp in copies:
                cp.wait()
            pltpu.sync_copy(rows_v, out_hbm.at[pl.ds(base + h * half, half)])

        for cp in hist_copies:
            cp.wait()
        plsc.subcore_barrier()

        @pl.when(sid == 0)
        def _write_usage():
            pltpu.sync_copy(usage_sh, usage_hbm.at[cid])

    return gather_kernel(emb_pad, idx, zeros_k, ones_w)


def _stats_kernel(usage2_ref, stats_ref):
    usage = usage2_ref[0, :] + usage2_ref[1, :]
    total = jnp.sum(usage)
    probs = usage / jnp.maximum(total, 1.0)
    safe = jnp.where(probs > 0, probs, 1.0)
    perp = jnp.exp(-jnp.sum(probs * jnp.log(safe)))
    dead = jnp.mean((usage == 0).astype(jnp.float32))
    sel = jax.lax.broadcasted_iota(jnp.int32, (2,), 0) == 0
    stats_ref[...] = jnp.where(sel, perp, dead)


def kernel(z_e, embedding):
    B, L, Dv = z_e.shape
    N = B * L
    n_steps = N // TN
    flat = z_e.reshape(N, Dv)
    embt = embedding.T

    idx = pl.pallas_call(
        _argmax_kernel,
        grid_spec=pl.GridSpec(
            grid=(n_steps,),
            in_specs=[
                pl.BlockSpec((TN, Dv), lambda i: (i, 0)),
                pl.BlockSpec((Dv, K), lambda i: (0, 0)),
            ],
            out_specs=pl.BlockSpec((TN,), lambda i: (i,)),
        ),
        out_shape=jax.ShapeDtypeStruct((N,), jnp.int32),
    )(flat, embt)

    emb_pad = jnp.pad(embedding, ((0, 0), (0, DP - Dv)))
    zeros_k = jnp.zeros((K,), jnp.float32)
    ones_w = jnp.ones((N // NW,), jnp.float32)
    zq_pad, usage2 = _sc_gather_hist(emb_pad, idx, zeros_k, ones_w, N)
    zq = zq_pad[:, :Dv].reshape(B, L, Dv)

    stats = pl.pallas_call(
        _stats_kernel,
        out_shape=jax.ShapeDtypeStruct((2,), jnp.float32),
    )(usage2)

    return (zq, zq, idx.reshape(B, L), stats)

# --- scband reference (transcript-rebuilt; emitter-appended) ---
"""Pipeline reference for scband-vector-quantizer-ema-16217796510394 (READ-ONLY COPY).

The authoritative reference and input builder live on the scoring server;
editing this copy changes nothing except your own understanding.
"""

import jax, jax.numpy as jnp
import numpy as np

K = 8192
D = 32
B = 32
L = 1024


def setup_inputs(seed: int = 0) -> dict:
    key = jax.random.key(seed)
    k1, k2 = jax.random.split(key)
    z_e = jax.random.normal(k1, (B, L, D), dtype=jnp.float32)
    embedding = jax.random.normal(k2, (K, D), dtype=jnp.float32)
    embedding = embedding / jnp.clip(jnp.linalg.norm(embedding, axis=1, keepdims=True), 1e-08)
    return {"z_e": z_e, "embedding": embedding}


def reference(z_e, embedding):
    # Faithful eval-mode forward of VectorQuantizerEMA.
    # (In training mode the EMA / dead-code updates are pure buffer side effects
    #  applied AFTER z_q is computed, so forward outputs are identical.)
    Bv, Lv, Dv = z_e.shape
    flat = z_e.reshape(-1, Dv)
    norm = jnp.clip(jnp.linalg.norm(flat, axis=1, keepdims=True), 1e-08)
    flat_norm = flat / norm
    dots = flat_norm @ embedding.T
    indices = jnp.argmax(dots, axis=1)
    z_q = jnp.take(embedding, indices, axis=0).reshape(Bv, Lv, Dv)
    z_q_st = z_e + jax.lax.stop_gradient(z_q - z_e)
    usage = jnp.bincount(indices, minlength=K, length=K).astype(jnp.float32)
    probs = usage / jnp.maximum(usage.sum(), 1.0)
    safe_probs = jnp.where(probs > 0, probs, 1.0)
    perplexity = jnp.exp(-jnp.sum(probs * jnp.log(safe_probs)))
    dead_ratio = jnp.mean((usage == 0).astype(jnp.float32))
    stats = jnp.stack([perplexity, dead_ratio])
    return (z_q_st, z_q, indices.reshape(Bv, Lv), stats)

if __name__ == "__main__":
    import jax
    _d = setup_inputs()
    print(jax.jit(kernel)(*tuple(_d.values())))

</pallas_src>

<mosaic_0001>
#map = affine_map<(d0, d1) -> (0, 0)>
#map1 = affine_map<(d0, d1) -> (0)>
module attributes {stable_mosaic.version = 14 : i64} {
  func.func @gather_kernel(%arg0: i32, %arg1: i32, %arg2: memref<8192x128xf32, #tpu.memory_space<hbm>>, %arg3: memref<32768xi32, #tpu.memory_space<hbm>>, %arg4: memref<8192xf32, #tpu.memory_space<hbm>>, %arg5: memref<1024xf32, #tpu.memory_space<hbm>>, %arg6: memref<32768x128xf32, #tpu.memory_space<hbm>>, %arg7: memref<2x8192xf32, #tpu.memory_space<hbm>>, %arg8: memref<1024xi32, #tpu.memory_space<vmem>>, %arg9: memref<512x128xf32, #tpu.memory_space<vmem>>, %arg10: memref<1024xf32, #tpu.memory_space<vmem>>, %arg11: memref<8192xf32, #tpu.memory_space<vmem_shared>>, %arg12: memref<!tpu.dma_semaphore, #tpu.memory_space<semaphore_mem>>, %arg13: memref<!tpu.dma_semaphore, #tpu.memory_space<semaphore_mem>>) attributes {dimension_semantics = [#tpu.dimension_semantics<core_parallel>, #tpu.dimension_semantics<subcore_parallel>], iteration_bounds = array<i64: 2, 16>, scalar_prefetch = 0 : i64, scratch_operands = 6 : i64, tpu.core_type = #tpu.core_type<sc_vector_subcore>, window_params = [{transform_indices = #map}, {transform_indices = #map1}, {transform_indices = #map1}, {transform_indices = #map1}, {transform_indices = #map}, {transform_indices = #map}]} {
    %mul3A = arith.constant 2 : i32
    %mul3A_0 = arith.muli %arg1, %mul3A : i32
    %add3A = arith.addi %mul3A_0, %arg0 : i32
    %mul3A_1 = arith.constant 1024 : i32
    %mul3A_2 = arith.muli %add3A, %mul3A_1 : i32
    "tpu.region"() ({
      %run_scoped3A = tpu.sem_alloc : memref<!tpu.dma_semaphore, #tpu.memory_space<semaphore_mem>>
      %dma_start3A_237 = tpu.memref_slice %arg3[%mul3A_2] : memref<32768xi32, #tpu.memory_space<hbm>> -> memref<1024xi32, #tpu.memory_space<hbm>>
      %dma_start3A_238 = tpu.memref_slice %arg3[%mul3A_2] : memref<32768xi32, #tpu.memory_space<hbm>> -> memref<1024xi32, #tpu.memory_space<hbm>>
      tpu.enqueue_dma source(%dma_start3A_238 : memref<1024xi32, #tpu.memory_space<hbm>>) target(%arg8 : memref<1024xi32, #tpu.memory_space<vmem>>) target_semaphore(%run_scoped3A : memref<!tpu.dma_semaphore, #tpu.memory_space<semaphore_mem>>)
      %dma_wait3A_239 = tpu.memref_slice %arg3[%mul3A_2] : memref<32768xi32, #tpu.memory_space<hbm>> -> memref<1024xi32, #tpu.memory_space<hbm>>
      %dma_wait3A_240 = tpu.memref_slice %arg3[%mul3A_2] : memref<32768xi32, #tpu.memory_space<hbm>> -> memref<1024xi32, #tpu.memory_space<hbm>>
      tpu.wait_dma2 semaphore(%run_scoped3A : memref<!tpu.dma_semaphore, #tpu.memory_space<semaphore_mem>>) src(%dma_wait3A_240 : memref<1024xi32, #tpu.memory_space<hbm>>) dst(%arg8 : memref<1024xi32, #tpu.memory_space<vmem>>)
      tpu.yield
    }) : () -> ()
    "tpu.region"() ({
      %run_scoped3A = tpu.sem_alloc : memref<!tpu.dma_semaphore, #tpu.memory_space<semaphore_mem>>
      tpu.enqueue_dma source(%arg5 : memref<1024xf32, #tpu.memory_space<hbm>>) target(%arg10 : memref<1024xf32, #tpu.memory_space<vmem>>) target_semaphore(%run_scoped3A : memref<!tpu.dma_semaphore, #tpu.memory_space<semaphore_mem>>)
      tpu.wait_dma2 semaphore(%run_scoped3A : memref<!tpu.dma_semaphore, #tpu.memory_space<semaphore_mem>>) src(%arg5 : memref<1024xf32, #tpu.memory_space<hbm>>) dst(%arg10 : memref<1024xf32, #tpu.memory_space<vmem>>)
      tpu.yield
    }) : () -> ()
    %eq3A = arith.constant 0 : i32
    %eq3A_3 = arith.cmpi eq, %arg1, %eq3A : i32
    %convert_element_type3A = arith.extui %eq3A_3 : i1 to i32
    %cond3A = arith.constant 0 : i32
    %cond3A_4 = arith.cmpi ne, %convert_element_type3A, %cond3A : i32
    scf.if %cond3A_4 {
      "tpu.region"() ({
        %run_scoped3A = tpu.sem_alloc : memref<!tpu.dma_semaphore, #tpu.memory_space<semaphore_mem>>
        tpu.enqueue_dma source(%arg4 : memref<8192xf32, #tpu.memory_space<hbm>>) target(%arg11 : memref<8192xf32, #tpu.memory_space<vmem_shared>>) target_semaphore(%run_scoped3A : memref<!tpu.dma_semaphore, #tpu.memory_space<semaphore_mem>>)
        tpu.wait_dma2 semaphore(%run_scoped3A : memref<!tpu.dma_semaphore, #tpu.memory_space<semaphore_mem>>) src(%arg4 : memref<8192xf32, #tpu.memory_space<hbm>>) dst(%arg11 : memref<8192xf32, #tpu.memory_space<vmem_shared>>)
        tpu.yield
      }) : () -> ()
    } else {
    }
    %barrier3A = arith.constant 0 : index
    tpu.barrier barrier_id(%barrier3A)
    %dma_start3A = arith.constant 0 : i32
    %dma_start3A_5 = tpu.memref_slice %arg10[%dma_start3A] : memref<1024xf32, #tpu.memory_space<vmem>> -> memref<128xf32, #tpu.memory_space<vmem>>
    %dma_start3A_6 = arith.constant 0 : i32
    %dma_start3A_7 = tpu.memref_slice %arg8[%dma_start3A_6] : memref<1024xi32, #tpu.memory_space<vmem>> -> memref<128xi32, #tpu.memory_space<vmem>>
    %dma_start3A_8 = arith.constant 0 : i32
    %dma_start3A_9 = tpu.memref_slice %arg11[%dma_start3A_8] : memref<8192xf32, #tpu.memory_space<vmem_shared>> -> memref<8192xf32, #tpu.memory_space<vmem_shared>>
    tpu.enqueue_indirect_dma source(%dma_start3A_5 : memref<128xf32, #tpu.memory_space<vmem>>) target(%dma_start3A_9 : memref<8192xf32, #tpu.memory_space<vmem_shared>>) offsets(%dma_start3A_7 : memref<128xi32, #tpu.memory_space<vmem>>) semaphore(%arg13 : memref<!tpu.dma_semaphore, #tpu.memory_space<semaphore_mem>>) {add = true}
    %dma_start3A_10 = arith.constant 128 : i32
    %dma_start3A_11 = tpu.memref_slice %arg10[%dma_start3A_10] : memref<1024xf32, #tpu.memory_space<vmem>> -> memref<128xf32, #tpu.memory_space<vmem>>
    %dma_start3A_12 = arith.constant 128 : i32
    %dma_start3A_13 = tpu.memref_slice %arg8[%dma_start3A_12] : memref<1024xi32, #tpu.memory_space<vmem>> -> memref<128xi32, #tpu.memory_space<vmem>>
    %dma_start3A_14 = arith.constant 0 : i32
    %dma_start3A_15 = tpu.memref_slice %arg11[%dma_start3A_14] : memref<8192xf32, #tpu.memory_space<vmem_shared>> -> memref<8192xf32, #tpu.memory_space<vmem_shared>>
    tpu.enqueue_indirect_dma source(%dma_start3A_11 : memref<128xf32, #tpu.memory_space<vmem>>) target(%dma_start3A_15 : memref<8192xf32, #tpu.memory_space<vmem_shared>>) offsets(%dma_start3A_13 : memref<128xi32, #tpu.memory_space<vmem>>) semaphore(%arg13 : memref<!tpu.dma_semaphore, #tpu.memory_space<semaphore_mem>>) {add = true}
    %dma_start3A_16 = arith.constant 256 : i32
    %dma_start3A_17 = tpu.memref_slice %arg10[%dma_start3A_16] : memref<1024xf32, #tpu.memory_space<vmem>> -> memref<128xf32, #tpu.memory_space<vmem>>
    %dma_start3A_18 = arith.constant 256 : i32
    %dma_start3A_19 = tpu.memref_slice %arg8[%dma_start3A_18] : memref<1024xi32, #tpu.memory_space<vmem>> -> memref<128xi32, #tpu.memory_space<vmem>>
    %dma_start3A_20 = arith.constant 0 : i32
    %dma_start3A_21 = tpu.memref_slice %arg11[%dma_start3A_20] : memref<8192xf32, #tpu.memory_space<vmem_shared>> -> memref<8192xf32, #tpu.memory_space<vmem_shared>>
    tpu.enqueue_indirect_dma source(%dma_start3A_17 : memref<128xf32, #tpu.memory_space<vmem>>) target(%dma_start3A_21 : memref<8192xf32, #tpu.memory_space<vmem_shared>>) offsets(%dma_start3A_19 : memref<128xi32, #tpu.memory_space<vmem>>) semaphore(%arg13 : memref<!tpu.dma_semaphore, #tpu.memory_space<semaphore_mem>>) {add = true}
    %dma_start3A_22 = arith.constant 384 : i32
    %dma_start3A_23 = tpu.memref_slice %arg10[%dma_start3A_22] : memref<1024xf32, #tpu.memory_space<vmem>> -> memref<128xf32, #tpu.memory_space<vmem>>
    %dma_start3A_24 = arith.constant 384 : i32
    %dma_start3A_25 = tpu.memref_slice %arg8[%dma_start3A_24] : memref<1024xi32, #tpu.memory_space<vmem>> -> memref<128xi32, #tpu.memory_space<vmem>>
    %dma_start3A_26 = arith.constant 0 : i32
    %dma_start3A_27 = tpu.memref_slice %arg11[%dma_start3A_26] : memref<8192xf32, #tpu.memory_space<vmem_shared>> -> memref<8192xf32, #tpu.memory_space<vmem_shared>>
    tpu.enqueue_indirect_dma source(%dma_start3A_23 : memref<128xf32, #tpu.memory_space<vmem>>) target(%dma_start3A_27 : memref<8192xf32, #tpu.memory_space<vmem_shared>>) offsets(%dma_start3A_25 : memref<128xi32, #tpu.memory_space<vmem>>) semaphore(%arg13 : memref<!tpu.dma_semaphore, #tpu.memory_space<semaphore_mem>>) {add = true}
    %dma_start3A_28 = arith.constant 512 : i32
    %dma_start3A_29 = tpu.memref_slice %arg10[%dma_start3A_28] : memref<1024xf32, #tpu.memory_space<vmem>> -> memref<128xf32, #tpu.memory_space<vmem>>
    %dma_start3A_30 = arith.constant 512 : i32
    %dma_start3A_31 = tpu.memref_slice %arg8[%dma_start3A_30] : memref<1024xi32, #tpu.memory_space<vmem>> -> memref<128xi32, #tpu.memory_space<vmem>>
    %dma_start3A_32 = arith.constant 0 : i32
    %dma_start3A_33 = tpu.memref_slice %arg11[%dma_start3A_32] : memref<8192xf32, #tpu.memory_space<vmem_shared>> -> memref<8192xf32, #tpu.memory_space<vmem_shared>>
    tpu.enqueue_indirect_dma source(%dma_start3A_29 : memref<128xf32, #tpu.memory_space<vmem>>) target(%dma_start3A_33 : memref<8192xf32, #tpu.memory_space<vmem_shared>>) offsets(%dma_start3A_31 : memref<128xi32, #tpu.memory_space<vmem>>) semaphore(%arg13 : memref<!tpu.dma_semaphore, #tpu.memory_space<semaphore_mem>>) {add = true}
    %dma_start3A_34 = arith.constant 640 : i32
    %dma_start3A_35 = tpu.memref_slice %arg10[%dma_start3A_34] : memref<1024xf32, #tpu.memory_space<vmem>> -> memref<128xf32, #tpu.memory_space<vmem>>
    %dma_start3A_36 = arith.constant 640 : i32
    %dma_start3A_37 = tpu.memref_slice %arg8[%dma_start3A_36] : memref<1024xi32, #tpu.memory_space<vmem>> -> memref<128xi32, #tpu.memory_space<vmem>>
    %dma_start3A_38 = arith.constant 0 : i32
    %dma_start3A_39 = tpu.memref_slice %arg11[%dma_start3A_38] : memref<8192xf32, #tpu.memory_space<vmem_shared>> -> memref<8192xf32, #tpu.memory_space<vmem_shared>>
    tpu.enqueue_indirect_dma source(%dma_start3A_35 : memref<128xf32, #tpu.memory_space<vmem>>) target(%dma_start3A_39 : memref<8192xf32, #tpu.memory_space<vmem_shared>>) offsets(%dma_start3A_37 : memref<128xi32, #tpu.memory_space<vmem>>) semaphore(%arg13 : memref<!tpu.dma_semaphore, #tpu.memory_space<semaphore_mem>>) {add = true}
    %dma_start3A_40 = arith.constant 768 : i32
    %dma_start3A_41 = tpu.memref_slice %arg10[%dma_start3A_40] : memref<1024xf32, #tpu.memory_space<vmem>> -> memref<128xf32, #tpu.memory_space<vmem>>
    %dma_start3A_42 = arith.constant 768 : i32
    %dma_start3A_43 = tpu.memref_slice %arg8[%dma_start3A_42] : memref<1024xi32, #tpu.memory_space<vmem>> -> memref<128xi32, #tpu.memory_space<vmem>>
    %dma_start3A_44 = arith.constant 0 : i32
    %dma_start3A_45 = tpu.memref_slice %arg11[%dma_start3A_44] : memref<8192xf32, #tpu.memory_space<vmem_shared>> -> memref<8192xf32, #tpu.memory_space<vmem_shared>>
    tpu.enqueue_indirect_dma source(%dma_start3A_41 : memref<128xf32, #tpu.memory_space<vmem>>) target(%dma_start3A_45 : memref<8192xf32, #tpu.memory_space<vmem_shared>>) offsets(%dma_start3A_43 : memref<128xi32, #tpu.memory_space<vmem>>) semaphore(%arg13 : memref<!tpu.dma_semaphore, #tpu.memory_space<semaphore_mem>>) {add = true}
    %dma_start3A_46 = arith.constant 896 : i32
    %dma_start3A_47 = tpu.memref_slice %arg10[%dma_start3A_46] : memref<1024xf32, #tpu.memory_space<vmem>> -> memref<128xf32, #tpu.memory_space<vmem>>
    %dma_start3A_48 = arith.constant 896 : i32
    %dma_start3A_49 = tpu.memref_slice %arg8[%dma_start3A_48] : memref<1024xi32, #tpu.memory_space<vmem>> -> memref<128xi32, #tpu.memory_space<vmem>>
    %dma_start3A_50 = arith.constant 0 : i32
    %dma_start3A_51 = tpu.memref_slice %arg11[%dma_start3A_50] : memref<8192xf32, #tpu.memory_space<vmem_shared>> -> memref<8192xf32, #tpu.memory_space<vmem_shared>>
    tpu.enqueue_indirect_dma source(%dma_start3A_47 : memref<128xf32, #tpu.memory_space<vmem>>) target(%dma_start3A_51 : memref<8192xf32, #tpu.memory_space<vmem_shared>>) offsets(%dma_start3A_49 : memref<128xi32, #tpu.memory_space<vmem>>) semaphore(%arg13 : memref<!tpu.dma_semaphore, #tpu.memory_space<semaphore_mem>>) {add = true}
    %dma_start3A_52 = arith.constant 0 : i32
    %dma_start3A_53 = arith.constant 0 : i32
    %dma_start3A_54 = tpu.memref_slice %arg9[%dma_start3A_52, %dma_start3A_53] : memref<512x128xf32, #tpu.memory_space<vmem>> -> memref<128x128xf32, #tpu.memory_space<vmem>>
    %dma_start3A_55 = arith.constant 0 : i32
    %dma_start3A_56 = tpu.memref_slice %arg8[%dma_start3A_55] : memref<1024xi32, #tpu.memory_space<vmem>> -> memref<128xi32, #tpu.memory_space<vmem>>
    %dma_start3A_57 = arith.constant 0 : i32
    %dma_start3A_58 = arith.constant 0 : i32
    %dma_start3A_59 = tpu.memref_slice %arg2[%dma_start3A_57, %dma_start3A_58] : memref<8192x128xf32, #tpu.memory_space<hbm>> -> memref<8192x128xf32, #tpu.memory_space<hbm>>
    tpu.enqueue_indirect_dma source(%dma_start3A_59 : memref<8192x128xf32, #tpu.memory_space<hbm>>) target(%dma_start3A_54 : memref<128x128xf32, #tpu.memory_space<vmem>>) offsets(%dma_start3A_56 : memref<128xi32, #tpu.memory_space<vmem>>) semaphore(%arg12 : memref<!tpu.dma_semaphore, #tpu.memory_space<semaphore_mem>>)
    %dma_start3A_60 = arith.constant 128 : i32
    %dma_start3A_61 = arith.constant 0 : i32
    %dma_start3A_62 = tpu.memref_slice %arg9[%dma_start3A_60, %dma_start3A_61] : memref<512x128xf32, #tpu.memory_space<vmem>> -> memref<128x128xf32, #tpu.memory_space<vmem>>
    %dma_start3A_63 = arith.constant 128 : i32
    %dma_start3A_64 = tpu.memref_slice %arg8[%dma_start3A_63] : memref<1024xi32, #tpu.memory_space<vmem>> -> memref<128xi32, #tpu.memory_space<vmem>>
    %dma_start3A_65 = arith.constant 0 : i32
    %dma_start3A_66 = arith.constant 0 : i32
    %dma_start3A_67 = tpu.memref_slice %arg2[%dma_start3A_65, %dma_start3A_66] : memref<8192x128xf32, #tpu.memory_space<hbm>> -> memref<8192x128xf32, #tpu.memory_space<hbm>>
    tpu.enqueue_indirect_dma source(%dma_start3A_67 : memref<8192x128xf32, #tpu.memory_space<hbm>>) target(%dma_start3A_62 : memref<128x128xf32, #tpu.memory_space<vmem>>) offsets(%dma_start3A_64 : memref<128xi32, #tpu.memory_space<vmem>>) semaphore(%arg12 : memref<!tpu.dma_semaphore, #tpu.memory_space<semaphore_mem>>)
    %dma_start3A_68 = arith.constant 256 : i32
    %dma_start3A_69 = arith.constant 0 : i32
    %dma_start3A_70 = tpu.memref_slice %arg9[%dma_start3A_68, %dma_start3A_69] : memref<512x128xf32, #tpu.memory_space<vmem>> -> memref<128x128xf32, #tpu.memory_space<vmem>>
    %dma_start3A_71 = arith.constant 256 : i32
    %dma_start3A_72 = tpu.memref_slice %arg8[%dma_start3A_71] : memref<1024xi32, #tpu.memory_space<vmem>> -> memref<128xi32, #tpu.memory_space<vmem>>
    %dma_start3A_73 = arith.constant 0 : i32
    %dma_start3A_74 = arith.constant 0 : i32
    %dma_start3A_75 = tpu.memref_slice %arg2[%dma_start3A_73, %dma_start3A_74] : memref<8192x128xf32, #tpu.memory_space<hbm>> -> memref<8192x128xf32, #tpu.memory_space<hbm>>
    tpu.enqueue_indirect_dma source(%dma_start3A_75 : memref<8192x128xf32, #tpu.memory_space<hbm>>) target(%dma_start3A_70 : memref<128x128xf32, #tpu.memory_space<vmem>>) offsets(%dma_start3A_72 : memref<128xi32, #tpu.memory_space<vmem>>) semaphore(%arg12 : memref<!tpu.dma_semaphore, #tpu.memory_space<semaphore_mem>>)
    %dma_start3A_76 = arith.constant 384 : i32
    %dma_start3A_77 = arith.constant 0 : i32
    %dma_start3A_78 = tpu.memref_slice %arg9[%dma_start3A_76, %dma_start3A_77] : memref<512x128xf32, #tpu.memory_space<vmem>> -> memref<128x128xf32, #tpu.memory_space<vmem>>
    %dma_start3A_79 = arith.constant 384 : i32
    %dma_start3A_80 = tpu.memref_slice %arg8[%dma_start3A_79] : memref<1024xi32, #tpu.memory_space<vmem>> -> memref<128xi32, #tpu.memory_space<vmem>>
    %dma_start3A_81 = arith.constant 0 : i32
    %dma_start3A_82 = arith.constant 0 : i32
    %dma_start3A_83 = tpu.memref_slice %arg2[%dma_start3A_81, %dma_start3A_82] : memref<8192x128xf32, #tpu.memory_space<hbm>> -> memref<8192x128xf32, #tpu.memory_space<hbm>>
    tpu.enqueue_indirect_dma source(%dma_start3A_83 : memref<8192x128xf32, #tpu.memory_space<hbm>>) target(%dma_start3A_78 : memref<128x128xf32, #tpu.memory_space<vmem>>) offsets(%dma_start3A_80 : memref<128xi32, #tpu.memory_space<vmem>>) semaphore(%arg12 : memref<!tpu.dma_semaphore, #tpu.memory_space<semaphore_mem>>)
    %dma_wait3A = arith.constant 0 : i32
    %dma_wait3A_84 = arith.constant 0 : i32
    %dma_wait3A_85 = tpu.memref_slice %arg9[%dma_wait3A, %dma_wait3A_84] : memref<512x128xf32, #tpu.memory_space<vmem>> -> memref<128x128xf32, #tpu.memory_space<vmem>>
    %dma_wait3A_86 = arith.constant 0 : i32
    %dma_wait3A_87 = tpu.memref_slice %arg8[%dma_wait3A_86] : memref<1024xi32, #tpu.memory_space<vmem>> -> memref<128xi32, #tpu.memory_space<vmem>>
    %dma_wait3A_88 = arith.constant 0 : i32
    %dma_wait3A_89 = arith.constant 0 : i32
    %dma_wait3A_90 = tpu.memref_slice %arg2[%dma_wait3A_88, %dma_wait3A_89] : memref<8192x128xf32, #tpu.memory_space<hbm>> -> memref<8192x128xf32, #tpu.memory_space<hbm>>
    tpu.wait_indirect_dma semaphore(%arg12 : memref<!tpu.dma_semaphore, #tpu.memory_space<semaphore_mem>>) src(%dma_wait3A_90 : memref<8192x128xf32, #tpu.memory_space<hbm>>) dst(%dma_wait3A_85 : memref<128x128xf32, #tpu.memory_space<vmem>>)
    %dma_wait3A_91 = arith.constant 128 : i32
    %dma_wait3A_92 = arith.constant 0 : i32
    %dma_wait3A_93 = tpu.memref_slice %arg9[%dma_wait3A_91, %dma_wait3A_92] : memref<512x128xf32, #tpu.memory_space<vmem>> -> memref<128x128xf32, #tpu.memory_space<vmem>>
    %dma_wait3A_94 = arith.constant 128 : i32
    %dma_wait3A_95 = tpu.memref_slice %arg8[%dma_wait3A_94] : memref<1024xi32, #tpu.memory_space<vmem>> -> memref<128xi32, #tpu.memory_space<vmem>>
    %dma_wait3A_96 = arith.constant 0 : i32
    %dma_wait3A_97 = arith.constant 0 : i32
    %dma_wait3A_98 = tpu.memref_slice %arg2[%dma_wait3A_96, %dma_wait3A_97] : memref<8192x128xf32, #tpu.memory_space<hbm>> -> memref<8192x128xf32, #tpu.memory_space<hbm>>
    tpu.wait_indirect_dma semaphore(%arg12 : memref<!tpu.dma_semaphore, #tpu.memory_space<semaphore_mem>>) src(%dma_wait3A_98 : memref<8192x128xf32, #tpu.memory_space<hbm>>) dst(%dma_wait3A_93 : memref<128x128xf32, #tpu.memory_space<vmem>>)
    %dma_wait3A_99 = arith.constant 256 : i32
    %dma_wait3A_100 = arith.constant 0 : i32
    %dma_wait3A_101 = tpu.memref_slice %arg9[%dma_wait3A_99, %dma_wait3A_100] : memref<512x128xf32, #tpu.memory_space<vmem>> -> memref<128x128xf32, #tpu.memory_space<vmem>>
    %dma_wait3A_102 = arith.constant 256 : i32
    %dma_wait3A_103 = tpu.memref_slice %arg8[%dma_wait3A_102] : memref<1024xi32, #tpu.memory_space<vmem>> -> memref<128xi32, #tpu.memory_space<vmem>>
    %dma_wait3A_104 = arith.constant 0 : i32
    %dma_wait3A_105 = arith.constant 0 : i32
    %dma_wait3A_106 = tpu.memref_slice %arg2[%dma_wait3A_104, %dma_wait3A_105] : memref<8192x128xf32, #tpu.memory_space<hbm>> -> memref<8192x128xf32, #tpu.memory_space<hbm>>
    tpu.wait_indirect_dma semaphore(%arg12 : memref<!tpu.dma_semaphore, #tpu.memory_space<semaphore_mem>>) src(%dma_wait3A_106 : memref<8192x128xf32, #tpu.memory_space<hbm>>) dst(%dma_wait3A_101 : memref<128x128xf32, #tpu.memory_space<vmem>>)
    %dma_wait3A_107 = arith.constant 384 : i32
    %dma_wait3A_108 = arith.constant 0 : i32
    %dma_wait3A_109 = tpu.memref_slice %arg9[%dma_wait3A_107, %dma_wait3A_108] : memref<512x128xf32, #tpu.memory_space<vmem>> -> memref<128x128xf32, #tpu.memory_space<vmem>>
    %dma_wait3A_110 = arith.constant 384 : i32
    %dma_wait3A_111 = tpu.memref_slice %arg8[%dma_wait3A_110] : memref<1024xi32, #tpu.memory_space<vmem>> -> memref<128xi32, #tpu.memory_space<vmem>>
    %dma_wait3A_112 = arith.constant 0 : i32
    %dma_wait3A_113 = arith.constant 0 : i32
    %dma_wait3A_114 = tpu.memref_slice %arg2[%dma_wait3A_112, %dma_wait3A_113] : memref<8192x128xf32, #tpu.memory_space<hbm>> -> memref<8192x128xf32, #tpu.memory_space<hbm>>
    tpu.wait_indirect_dma semaphore(%arg12 : memref<!tpu.dma_semaphore, #tpu.memory_space<semaphore_mem>>) src(%dma_wait3A_114 : memref<8192x128xf32, #tpu.memory_space<hbm>>) dst(%dma_wait3A_109 : memref<128x128xf32, #tpu.memory_space<vmem>>)
    %add3A_115 = arith.constant 0 : i32
    %add3A_116 = arith.addi %mul3A_2, %add3A_115 : i32
    "tpu.region"() ({
      %run_scoped3A = tpu.sem_alloc : memref<!tpu.dma_semaphore, #tpu.memory_space<semaphore_mem>>
      %dma_start3A_237 = arith.constant 0 : i32
      %dma_start3A_238 = tpu.memref_slice %arg6[%add3A_116, %dma_start3A_237] : memref<32768x128xf32, #tpu.memory_space<hbm>> -> memref<512x128xf32, #tpu.memory_space<hbm>>
      %dma_start3A_239 = arith.constant 0 : i32
      %dma_start3A_240 = tpu.memref_slice %arg6[%add3A_116, %dma_start3A_239] : memref<32768x128xf32, #tpu.memory_space<hbm>> -> memref<512x128xf32, #tpu.memory_space<hbm>>
      tpu.enqueue_dma source(%arg9 : memref<512x128xf32, #tpu.memory_space<vmem>>) target(%dma_start3A_240 : memref<512x128xf32, #tpu.memory_space<hbm>>) target_semaphore(%run_scoped3A : memref<!tpu.dma_semaphore, #tpu.memory_space<semaphore_mem>>)
      %dma_wait3A_241 = arith.constant 0 : i32
      %dma_wait3A_242 = tpu.memref_slice %arg6[%add3A_116, %dma_wait3A_241] : memref<32768x128xf32, #tpu.memory_space<hbm>> -> memref<512x128xf32, #tpu.memory_space<hbm>>
      %dma_wait3A_243 = arith.constant 0 : i32
      %dma_wait3A_244 = tpu.memref_slice %arg6[%add3A_116, %dma_wait3A_243] : memref<32768x128xf32, #tpu.memory_space<hbm>> -> memref<512x128xf32, #tpu.memory_space<hbm>>
      tpu.wait_dma2 semaphore(%run_scoped3A : memref<!tpu.dma_semaphore, #tpu.memory_space<semaphore_mem>>) src(%arg9 : memref<512x128xf32, #tpu.memory_space<vmem>>) dst(%dma_wait3A_244 : memref<512x128xf32, #tpu.memory_space<hbm>>)
      tpu.yield
    }) : () -> ()
    %dma_start3A_117 = arith.constant 0 : i32
    %dma_start3A_118 = arith.constant 0 : i32
    %dma_start3A_119 = tpu.memref_slice %arg9[%dma_start3A_117, %dma_start3A_118] : memref<512x128xf32, #tpu.memory_space<vmem>> -> memref<128x128xf32, #tpu.memory_space<vmem>>
    %dma_start3A_120 = arith.constant 512 : i32
    %dma_start3A_121 = tpu.memref_slice %arg8[%dma_start3A_120] : memref<1024xi32, #tpu.memory_space<vmem>> -> memref<128xi32, #tpu.memory_space<vmem>>
    %dma_start3A_122 = arith.constant 0 : i32
    %dma_start3A_123 = arith.constant 0 : i32
    %dma_start3A_124 = tpu.memref_slice %arg2[%dma_start3A_122, %dma_start3A_123] : memref<8192x128xf32, #tpu.memory_space<hbm>> -> memref<8192x128xf32, #tpu.memory_space<hbm>>
    tpu.enqueue_indirect_dma source(%dma_start3A_124 : memref<8192x128xf32, #tpu.memory_space<hbm>>) target(%dma_start3A_119 : memref<128x128xf32, #tpu.memory_space<vmem>>) offsets(%dma_start3A_121 : memref<128xi32, #tpu.memory_space<vmem>>) semaphore(%arg12 : memref<!tpu.dma_semaphore, #tpu.memory_space<semaphore_mem>>)
    %dma_start3A_125 = arith.constant 128 : i32
    %dma_start3A_126 = arith.constant 0 : i32
    %dma_start3A_127 = tpu.memref_slice %arg9[%dma_start3A_125, %dma_start3A_126] : memref<512x128xf32, #tpu.memory_space<vmem>> -> memref<128x128xf32, #tpu.memory_space<vmem>>
    %dma_start3A_128 = arith.constant 640 : i32
    %dma_start3A_129 = tpu.memref_slice %arg8[%dma_start3A_128] : memref<1024xi32, #tpu.memory_space<vmem>> -> memref<128xi32, #tpu.memory_space<vmem>>
    %dma_start3A_130 = arith.constant 0 : i32
    %dma_start3A_131 = arith.constant 0 : i32
    %dma_start3A_132 = tpu.memref_slice %arg2[%dma_start3A_130, %dma_start3A_131] : memref<8192x128xf32, #tpu.memory_space<hbm>> -> memref<8192x128xf32, #tpu.memory_space<hbm>>
    tpu.enqueue_indirect_dma source(%dma_start3A_132 : memref<8192x128xf32, #tpu.memory_space<hbm>>) target(%dma_start3A_127 : memref<128x128xf32, #tpu.memory_space<vmem>>) offsets(%dma_start3A_129 : memref<128xi32, #tpu.memory_space<vmem>>) semaphore(%arg12 : memref<!tpu.dma_semaphore, #tpu.memory_space<semaphore_mem>>)
    %dma_start3A_133 = arith.constant 256 : i32
    %dma_start3A_134 = arith.constant 0 : i32
    %dma_start3A_135 = tpu.memref_slice %arg9[%dma_start3A_133, %dma_start3A_134] : memref<512x128xf32, #tpu.memory_space<vmem>> -> memref<128x128xf32, #tpu.memory_space<vmem>>
    %dma_start3A_136 = arith.constant 768 : i32
    %dma_start3A_137 = tpu.memref_slice %arg8[%dma_start3A_136] : memref<1024xi32, #tpu.memory_space<vmem>> -> memref<128xi32, #tpu.memory_space<vmem>>
    %dma_start3A_138 = arith.constant 0 : i32
    %dma_start3A_139 = arith.constant 0 : i32
    %dma_start3A_140 = tpu.memref_slice %arg2[%dma_start3A_138, %dma_start3A_139] : memref<8192x128xf32, #tpu.memory_space<hbm>> -> memref<8192x128xf32, #tpu.memory_space<hbm>>
    tpu.enqueue_indirect_dma source(%dma_start3A_140 : memref<8192x128xf32, #tpu.memory_space<hbm>>) target(%dma_start3A_135 : memref<128x128xf32, #tpu.memory_space<vmem>>) offsets(%dma_start3A_137 : memref<128xi32, #tpu.memory_space<vmem>>) semaphore(%arg12 : memref<!tpu.dma_semaphore, #tpu.memory_space<semaphore_mem>>)
    %dma_start3A_141 = arith.constant 384 : i32
    %dma_start3A_142 = arith.constant 0 : i32
    %dma_start3A_143 = tpu.memref_slice %arg9[%dma_start3A_141, %dma_start3A_142] : memref<512x128xf32, #tpu.memory_space<vmem>> -> memref<128x128xf32, #tpu.memory_space<vmem>>
    %dma_start3A_144 = arith.constant 896 : i32
    %dma_start3A_145 = tpu.memref_slice %arg8[%dma_start3A_144] : memref<1024xi32, #tpu.memory_space<vmem>> -> memref<128xi32, #tpu.memory_space<vmem>>
    %dma_start3A_146 = arith.constant 0 : i32
    %dma_start3A_147 = arith.constant 0 : i32
    %dma_start3A_148 = tpu.memref_slice %arg2[%dma_start3A_146, %dma_start3A_147] : memref<8192x128xf32, #tpu.memory_space<hbm>> -> memref<8192x128xf32, #tpu.memory_space<hbm>>
    tpu.enqueue_indirect_dma source(%dma_start3A_148 : memref<8192x128xf32, #tpu.memory_space<hbm>>) target(%dma_start3A_143 : memref<128x128xf32, #tpu.memory_space<vmem>>) offsets(%dma_start3A_145 : memref<128xi32, #tpu.memory_space<vmem>>) semaphore(%arg12 : memref<!tpu.dma_semaphore, #tpu.memory_space<semaphore_mem>>)
    %dma_wait3A_149 = arith.constant 0 : i32
    %dma_wait3A_150 = arith.constant 0 : i32
    %dma_wait3A_151 = tpu.memref_slice %arg9[%dma_wait3A_149, %dma_wait3A_150] : memref<512x128xf32, #tpu.memory_space<vmem>> -> memref<128x128xf32, #tpu.memory_space<vmem>>
    %dma_wait3A_152 = arith.constant 512 : i32
    %dma_wait3A_153 = tpu.memref_slice %arg8[%dma_wait3A_152] : memref<1024xi32, #tpu.memory_space<vmem>> -> memref<128xi32, #tpu.memory_space<vmem>>
    %dma_wait3A_154 = arith.constant 0 : i32
    %dma_wait3A_155 = arith.constant 0 : i32
    %dma_wait3A_156 = tpu.memref_slice %arg2[%dma_wait3A_154, %dma_wait3A_155] : memref<8192x128xf32, #tpu.memory_space<hbm>> -> memref<8192x128xf32, #tpu.memory_space<hbm>>
    tpu.wait_indirect_dma semaphore(%arg12 : memref<!tpu.dma_semaphore, #tpu.memory_space<semaphore_mem>>) src(%dma_wait3A_156 : memref<8192x128xf32, #tpu.memory_space<hbm>>) dst(%dma_wait3A_151 : memref<128x128xf32, #tpu.memory_space<vmem>>)
    %dma_wait3A_157 = arith.constant 128 : i32
    %dma_wait3A_158 = arith.constant 0 : i32
    %dma_wait3A_159 = tpu.memref_slice %arg9[%dma_wait3A_157, %dma_wait3A_158] : memref<512x128xf32, #tpu.memory_space<vmem>> -> memref<128x128xf32, #tpu.memory_space<vmem>>
    %dma_wait3A_160 = arith.constant 640 : i32
    %dma_wait3A_161 = tpu.memref_slice %arg8[%dma_wait3A_160] : memref<1024xi32, #tpu.memory_space<vmem>> -> memref<128xi32, #tpu.memory_space<vmem>>
    %dma_wait3A_162 = arith.constant 0 : i32
    %dma_wait3A_163 = arith.constant 0 : i32
    %dma_wait3A_164 = tpu.memref_slice %arg2[%dma_wait3A_162, %dma_wait3A_163] : memref<8192x128xf32, #tpu.memory_space<hbm>> -> memref<8192x128xf32, #tpu.memory_space<hbm>>
    tpu.wait_indirect_dma semaphore(%arg12 : memref<!tpu.dma_semaphore, #tpu.memory_space<semaphore_mem>>) src(%dma_wait3A_164 : memref<8192x128xf32, #tpu.memory_space<hbm>>) dst(%dma_wait3A_159 : memref<128x128xf32, #tpu.memory_space<vmem>>)
    %dma_wait3A_165 = arith.constant 256 : i32
    %dma_wait3A_166 = arith.constant 0 : i32
    %dma_wait3A_167 = tpu.memref_slice %arg9[%dma_wait3A_165, %dma_wait3A_166] : memref<512x128xf32, #tpu.memory_space<vmem>> -> memref<128x128xf32, #tpu.memory_space<vmem>>
    %dma_wait3A_168 = arith.constant 768 : i32
    %dma_wait3A_169 = tpu.memref_slice %arg8[%dma_wait3A_168] : memref<1024xi32, #tpu.memory_space<vmem>> -> memref<128xi32, #tpu.memory_space<vmem>>
    %dma_wait3A_170 = arith.constant 0 : i32
    %dma_wait3A_171 = arith.constant 0 : i32
    %dma_wait3A_172 = tpu.memref_slice %arg2[%dma_wait3A_170, %dma_wait3A_171] : memref<8192x128xf32, #tpu.memory_space<hbm>> -> memref<8192x128xf32, #tpu.memory_space<hbm>>
    tpu.wait_indirect_dma semaphore(%arg12 : memref<!tpu.dma_semaphore, #tpu.memory_space<semaphore_mem>>) src(%dma_wait3A_172 : memref<8192x128xf32, #tpu.memory_space<hbm>>) dst(%dma_wait3A_167 : memref<128x128xf32, #tpu.memory_space<vmem>>)
    %dma_wait3A_173 = arith.constant 384 : i32
    %dma_wait3A_174 = arith.constant 0 : i32
    %dma_wait3A_175 = tpu.memref_slice %arg9[%dma_wait3A_173, %dma_wait3A_174] : memref<512x128xf32, #tpu.memory_space<vmem>> -> memref<128x128xf32, #tpu.memory_space<vmem>>
    %dma_wait3A_176 = arith.constant 896 : i32
    %dma_wait3A_177 = tpu.memref_slice %arg8[%dma_wait3A_176] : memref<1024xi32, #tpu.memory_space<vmem>> -> memref<128xi32, #tpu.memory_space<vmem>>
    %dma_wait3A_178 = arith.constant 0 : i32
    %dma_wait3A_179 = arith.constant 0 : i32
    %dma_wait3A_180 = tpu.memref_slice %arg2[%dma_wait3A_178, %dma_wait3A_179] : memref<8192x128xf32, #tpu.memory_space<hbm>> -> memref<8192x128xf32, #tpu.memory_space<hbm>>
    tpu.wait_indirect_dma semaphore(%arg12 : memref<!tpu.dma_semaphore, #tpu.memory_space<semaphore_mem>>) src(%dma_wait3A_180 : memref<8192x128xf32, #tpu.memory_space<hbm>>) dst(%dma_wait3A_175 : memref<128x128xf32, #tpu.memory_space<vmem>>)
    %add3A_181 = arith.constant 512 : i32
    %add3A_182 = arith.addi %mul3A_2, %add3A_181 : i32
    "tpu.region"() ({
      %run_scoped3A = tpu.sem_alloc : memref<!tpu.dma_semaphore, #tpu.memory_space<semaphore_mem>>
      %dma_start3A_237 = arith.constant 0 : i32
      %dma_start3A_238 = tpu.memref_slice %arg6[%add3A_182, %dma_start3A_237] : memref<32768x128xf32, #tpu.memory_space<hbm>> -> memref<512x128xf32, #tpu.memory_space<hbm>>
      %dma_start3A_239 = arith.constant 0 : i32
      %dma_start3A_240 = tpu.memref_slice %arg6[%add3A_182, %dma_start3A_239] : memref<32768x128xf32, #tpu.memory_space<hbm>> -> memref<512x128xf32, #tpu.memory_space<hbm>>
      tpu.enqueue_dma source(%arg9 : memref<512x128xf32, #tpu.memory_space<vmem>>) target(%dma_start3A_240 : memref<512x128xf32, #tpu.memory_space<hbm>>) target_semaphore(%run_scoped3A : memref<!tpu.dma_semaphore, #tpu.memory_space<semaphore_mem>>)
      %dma_wait3A_241 = arith.constant 0 : i32
      %dma_wait3A_242 = tpu.memref_slice %arg6[%add3A_182, %dma_wait3A_241] : memref<32768x128xf32, #tpu.memory_space<hbm>> -> memref<512x128xf32, #tpu.memory_space<hbm>>
      %dma_wait3A_243 = arith.constant 0 : i32
      %dma_wait3A_244 = tpu.memref_slice %arg6[%add3A_182, %dma_wait3A_243] : memref<32768x128xf32, #tpu.memory_space<hbm>> -> memref<512x128xf32, #tpu.memory_space<hbm>>
      tpu.wait_dma2 semaphore(%run_scoped3A : memref<!tpu.dma_semaphore, #tpu.memory_space<semaphore_mem>>) src(%arg9 : memref<512x128xf32, #tpu.memory_space<vmem>>) dst(%dma_wait3A_244 : memref<512x128xf32, #tpu.memory_space<hbm>>)
      tpu.yield
    }) : () -> ()
    %dma_wait3A_183 = arith.constant 0 : i32
    %dma_wait3A_184 = tpu.memref_slice %arg10[%dma_wait3A_183] : memref<1024xf32, #tpu.memory_space<vmem>> -> memref<128xf32, #tpu.memory_space<vmem>>
    %dma_wait3A_185 = arith.constant 0 : i32
    %dma_wait3A_186 = tpu.memref_slice %arg8[%dma_wait3A_185] : memref<1024xi32, #tpu.memory_space<vmem>> -> memref<128xi32, #tpu.memory_space<vmem>>
    %dma_wait3A_187 = arith.constant 0 : i32
    %dma_wait3A_188 = tpu.memref_slice %arg11[%dma_wait3A_187] : memref<8192xf32, #tpu.memory_space<vmem_shared>> -> memref<8192xf32, #tpu.memory_space<vmem_shared>>
    tpu.wait_indirect_dma semaphore(%arg13 : memref<!tpu.dma_semaphore, #tpu.memory_space<semaphore_mem>>) src(%dma_wait3A_184 : memref<128xf32, #tpu.memory_space<vmem>>) dst(%dma_wait3A_188 : memref<8192xf32, #tpu.memory_space<vmem_shared>>)
    %dma_wait3A_189 = arith.constant 128 : i32
    %dma_wait3A_190 = tpu.memref_slice %arg10[%dma_wait3A_189] : memref<1024xf32, #tpu.memory_space<vmem>> -> memref<128xf32, #tpu.memory_space<vmem>>
    %dma_wait3A_191 = arith.constant 128 : i32
    %dma_wait3A_192 = tpu.memref_slice %arg8[%dma_wait3A_191] : memref<1024xi32, #tpu.memory_space<vmem>> -> memref<128xi32, #tpu.memory_space<vmem>>
    %dma_wait3A_193 = arith.constant 0 : i32
    %dma_wait3A_194 = tpu.memref_slice %arg11[%dma_wait3A_193] : memref<8192xf32, #tpu.memory_space<vmem_shared>> -> memref<8192xf32, #tpu.memory_space<vmem_shared>>
    tpu.wait_indirect_dma semaphore(%arg13 : memref<!tpu.dma_semaphore, #tpu.memory_space<semaphore_mem>>) src(%dma_wait3A_190 : memref<128xf32, #tpu.memory_space<vmem>>) dst(%dma_wait3A_194 : memref<8192xf32, #tpu.memory_space<vmem_shared>>)
    %dma_wait3A_195 = arith.constant 256 : i32
    %dma_wait3A_196 = tpu.memref_slice %arg10[%dma_wait3A_195] : memref<1024xf32, #tpu.memory_space<vmem>> -> memref<128xf32, #tpu.memory_space<vmem>>
    %dma_wait3A_197 = arith.constant 256 : i32
    %dma_wait3A_198 = tpu.memref_slice %arg8[%dma_wait3A_197] : memref<1024xi32, #tpu.memory_space<vmem>> -> memref<128xi32, #tpu.memory_space<vmem>>
    %dma_wait3A_199 = arith.constant 0 : i32
    %dma_wait3A_200 = tpu.memref_slice %arg11[%dma_wait3A_199] : memref<8192xf32, #tpu.memory_space<vmem_shared>> -> memref<8192xf32, #tpu.memory_space<vmem_shared>>
    tpu.wait_indirect_dma semaphore(%arg13 : memref<!tpu.dma_semaphore, #tpu.memory_space<semaphore_mem>>) src(%dma_wait3A_196 : memref<128xf32, #tpu.memory_space<vmem>>) dst(%dma_wait3A_200 : memref<8192xf32, #tpu.memory_space<vmem_shared>>)
    %dma_wait3A_201 = arith.constant 384 : i32
    %dma_wait3A_202 = tpu.memref_slice %arg10[%dma_wait3A_201] : memref<1024xf32, #tpu.memory_space<vmem>> -> memref<128xf32, #tpu.memory_space<vmem>>
    %dma_wait3A_203 = arith.constant 384 : i32
    %dma_wait3A_204 = tpu.memref_slice %arg8[%dma_wait3A_203] : memref<1024xi32, #tpu.memory_space<vmem>> -> memref<128xi32, #tpu.memory_space<vmem>>
    %dma_wait3A_205 = arith.constant 0 : i32
    %dma_wait3A_206 = tpu.memref_slice %arg11[%dma_wait3A_205] : memref<8192xf32, #tpu.memory_space<vmem_shared>> -> memref<8192xf32, #tpu.memory_space<vmem_shared>>
    tpu.wait_indirect_dma semaphore(%arg13 : memref<!tpu.dma_semaphore, #tpu.memory_space<semaphore_mem>>) src(%dma_wait3A_202 : memref<128xf32, #tpu.memory_space<vmem>>) dst(%dma_wait3A_206 : memref<8192xf32, #tpu.memory_space<vmem_shared>>)
    %dma_wait3A_207 = arith.constant 512 : i32
    %dma_wait3A_208 = tpu.memref_slice %arg10[%dma_wait3A_207] : memref<1024xf32, #tpu.memory_space<vmem>> -> memref<128xf32, #tpu.memory_space<vmem>>
    %dma_wait3A_209 = arith.constant 512 : i32
    %dma_wait3A_210 = tpu.memref_slice %arg8[%dma_wait3A_209] : memref<1024xi32, #tpu.memory_space<vmem>> -> memref<128xi32, #tpu.memory_space<vmem>>
    %dma_wait3A_211 = arith.constant 0 : i32
    %dma_wait3A_212 = tpu.memref_slice %arg11[%dma_wait3A_211] : memref<8192xf32, #tpu.memory_space<vmem_shared>> -> memref<8192xf32, #tpu.memory_space<vmem_shared>>
    tpu.wait_indirect_dma semaphore(%arg13 : memref<!tpu.dma_semaphore, #tpu.memory_space<semaphore_mem>>) src(%dma_wait3A_208 : memref<128xf32, #tpu.memory_space<vmem>>) dst(%dma_wait3A_212 : memref<8192xf32, #tpu.memory_space<vmem_shared>>)
    %dma_wait3A_213 = arith.constant 640 : i32
    %dma_wait3A_214 = tpu.memref_slice %arg10[%dma_wait3A_213] : memref<1024xf32, #tpu.memory_space<vmem>> -> memref<128xf32, #tpu.memory_space<vmem>>
    %dma_wait3A_215 = arith.constant 640 : i32
    %dma_wait3A_216 = tpu.memref_slice %arg8[%dma_wait3A_215] : memref<1024xi32, #tpu.memory_space<vmem>> -> memref<128xi32, #tpu.memory_space<vmem>>
    %dma_wait3A_217 = arith.constant 0 : i32
    %dma_wait3A_218 = tpu.memref_slice %arg11[%dma_wait3A_217] : memref<8192xf32, #tpu.memory_space<vmem_shared>> -> memref<8192xf32, #tpu.memory_space<vmem_shared>>
    tpu.wait_indirect_dma semaphore(%arg13 : memref<!tpu.dma_semaphore, #tpu.memory_space<semaphore_mem>>) src(%dma_wait3A_214 : memref<128xf32, #tpu.memory_space<vmem>>) dst(%dma_wait3A_218 : memref<8192xf32, #tpu.memory_space<vmem_shared>>)
    %dma_wait3A_219 = arith.constant 768 : i32
    %dma_wait3A_220 = tpu.memref_slice %arg10[%dma_wait3A_219] : memref<1024xf32, #tpu.memory_space<vmem>> -> memref<128xf32, #tpu.memory_space<vmem>>
    %dma_wait3A_221 = arith.constant 768 : i32
    %dma_wait3A_222 = tpu.memref_slice %arg8[%dma_wait3A_221] : memref<1024xi32, #tpu.memory_space<vmem>> -> memref<128xi32, #tpu.memory_space<vmem>>
    %dma_wait3A_223 = arith.constant 0 : i32
    %dma_wait3A_224 = tpu.memref_slice %arg11[%dma_wait3A_223] : memref<8192xf32, #tpu.memory_space<vmem_shared>> -> memref<8192xf32, #tpu.memory_space<vmem_shared>>
    tpu.wait_indirect_dma semaphore(%arg13 : memref<!tpu.dma_semaphore, #tpu.memory_space<semaphore_mem>>) src(%dma_wait3A_220 : memref<128xf32, #tpu.memory_space<vmem>>) dst(%dma_wait3A_224 : memref<8192xf32, #tpu.memory_space<vmem_shared>>)
    %dma_wait3A_225 = arith.constant 896 : i32
    %dma_wait3A_226 = tpu.memref_slice %arg10[%dma_wait3A_225] : memref<1024xf32, #tpu.memory_space<vmem>> -> memref<128xf32, #tpu.memory_space<vmem>>
    %dma_wait3A_227 = arith.constant 896 : i32
    %dma_wait3A_228 = tpu.memref_slice %arg8[%dma_wait3A_227] : memref<1024xi32, #tpu.memory_space<vmem>> -> memref<128xi32, #tpu.memory_space<vmem>>
    %dma_wait3A_229 = arith.constant 0 : i32
    %dma_wait3A_230 = tpu.memref_slice %arg11[%dma_wait3A_229] : memref<8192xf32, #tpu.memory_space<vmem_shared>> -> memref<8192xf32, #tpu.memory_space<vmem_shared>>
    tpu.wait_indirect_dma semaphore(%arg13 : memref<!tpu.dma_semaphore, #tpu.memory_space<semaphore_mem>>) src(%dma_wait3A_226 : memref<128xf32, #tpu.memory_space<vmem>>) dst(%dma_wait3A_230 : memref<8192xf32, #tpu.memory_space<vmem_shared>>)
    %barrier3A_231 = arith.constant 0 : index
    tpu.barrier barrier_id(%barrier3A_231)
    %eq3A_232 = arith.constant 0 : i32
    %eq3A_233 = arith.cmpi eq, %arg1, %eq3A_232 : i32
    %convert_element_type3A_234 = arith.extui %eq3A_233 : i1 to i32
    %cond3A_235 = arith.constant 0 : i32
    %cond3A_236 = arith.cmpi ne, %convert_element_type3A_234, %cond3A_235 : i32
    scf.if %cond3A_236 {
      "tpu.region"() ({
        %run_scoped3A = tpu.sem_alloc : memref<!tpu.dma_semaphore, #tpu.memory_space<semaphore_mem>>
        %dma_start3A_237 = arith.constant 0 : i32
        %dma_start3A_238 = tpu.memref_slice %arg7[%arg0, %dma_start3A_237] : memref<2x8192xf32, #tpu.memory_space<hbm>> -> memref<1x8192xf32, #tpu.memory_space<hbm>>
        %dma_start3A_239 = tpu.memref_squeeze %dma_start3A_238 : memref<1x8192xf32, #tpu.memory_space<hbm>> -> memref<8192xf32, #tpu.memory_space<hbm>>
        tpu.enqueue_dma source(%arg11 : memref<8192xf32, #tpu.memory_space<vmem_shared>>) target(%dma_start3A_239 : memref<8192xf32, #tpu.memory_space<hbm>>) target_semaphore(%run_scoped3A : memref<!tpu.dma_semaphore, #tpu.memory_space<semaphore_mem>>)
        %dma_wait3A_240 = arith.constant 0 : i32
        %dma_wait3A_241 = tpu.memref_slice %arg7[%arg0, %dma_wait3A_240] : memref<2x8192xf32, #tpu.memory_space<hbm>> -> memref<1x8192xf32, #tpu.memory_space<hbm>>
        %dma_wait3A_242 = tpu.memref_squeeze %dma_wait3A_241 : memref<1x8192xf32, #tpu.memory_space<hbm>> -> memref<8192xf32, #tpu.memory_space<hbm>>
        tpu.wait_dma2 semaphore(%run_scoped3A : memref<!tpu.dma_semaphore, #tpu.memory_space<semaphore_mem>>) src(%arg11 : memref<8192xf32, #tpu.memory_space<vmem_shared>>) dst(%dma_wait3A_242 : memref<8192xf32, #tpu.memory_space<hbm>>)
        tpu.yield
      }) : () -> ()
    } else {
    }
    return
  }
}

module attributes {stable_mosaic.version = 14 : i64} {
  func.func @_argmax_kernel(%arg0: i32, %arg1: memref<512x32xf32, #tpu.memory_space<vmem>>, %arg2: memref<32x8192xf32, #tpu.memory_space<vmem>>, %arg3: memref<512xi32, #tpu.memory_space<vmem>>) attributes {dimension_semantics = [#tpu.dimension_semantics<arbitrary>], iteration_bounds = array<i64: 64>, scalar_prefetch = 0 : i64, scratch_operands = 0 : i64, tpu.core_type = #tpu.core_type<tc>, window_params = [{transform_indices = @transform_0, window_bounds = array<i64: 512, 32>}, {pipeline_mode = #tpu.pipeline_mode<synchronous>, transform_indices = @transform_1, window_bounds = array<i64: 32, 8192>}, {transform_indices = @transform_2, window_bounds = array<i64: 512>}]} {
    %get3A = arith.constant 0 : index
    %get3A_0 = arith.constant 0 : index
    %get3A_1 = vector.load %arg1[%get3A, %get3A_0] : memref<512x32xf32, #tpu.memory_space<vmem>>, vector<512x32xf32>
    %mul3A = arith.mulf %get3A_1, %get3A_1 : vector<512x32xf32>
    %reduce_sum3A = arith.constant dense<0.000000e+00> : vector<512xf32>
    %reduce_sum3A_2 = vector.multi_reduction <add>, %mul3A, %reduce_sum3A [1] : vector<512x32xf32> to vector<512xf32>
    %broadcast_in_dim3A = vector.shape_cast %reduce_sum3A_2 : vector<512xf32> to vector<512x1xf32>
    %sqrt3A = math.sqrt %broadcast_in_dim3A : vector<512x1xf32>
    %max3A = arith.constant 9.99999993E-9 : f32
    %max3A_3 = vector.broadcast %max3A : f32 to vector<512x1xf32>
    %max3A_4 = arith.maximumf %sqrt3A, %max3A_3 : vector<512x1xf32>
    %div3A = vector.broadcast %max3A_4 : vector<512x1xf32> to vector<512x32xf32>
    %div3A_5 = arith.divf %get3A_1, %div3A : vector<512x32xf32>
    %get3A_6 = arith.constant 0 : index
    %get3A_7 = arith.constant 0 : index
    %get3A_8 = vector.load %arg2[%get3A_6, %get3A_7] : memref<32x8192xf32, #tpu.memory_space<vmem>>, vector<32x128xf32>
    %dot_general3A = arith.constant dense<0.000000e+00> : vector<512x128xf32>
    %dot_general3A_9 = tpu.matmul %div3A_5, %get3A_8, %dot_general3A {dimension_numbers = #tpu.dot_dimension_numbers<[1], [0], [0], [1], [0, 0, 1, 1], [], []>, transpose_lhs_hint = false} : vector<512x32xf32>, vector<32x128xf32>, vector<512x128xf32> -> vector<512x128xf32>
    %broadcast_in_dim3A_10 = arith.constant 0 : i32
    %broadcast_in_dim3A_11 = vector.broadcast %broadcast_in_dim3A_10 : i32 to vector<512x128xi32>
    %get3A_12 = arith.constant 0 : index
    %get3A_13 = arith.constant 128 : index
    %get3A_14 = vector.load %arg2[%get3A_12, %get3A_13] : memref<32x8192xf32, #tpu.memory_space<vmem>>, vector<32x128xf32>
    %dot_general3A_15 = arith.constant dense<0.000000e+00> : vector<512x128xf32>
    %dot_general3A_16 = tpu.matmul %div3A_5, %get3A_14, %dot_general3A_15 {dimension_numbers = #tpu.dot_dimension_numbers<[1], [0], [0], [1], [0, 0, 1, 1], [], []>, transpose_lhs_hint = false} : vector<512x32xf32>, vector<32x128xf32>, vector<512x128xf32> -> vector<512x128xf32>
    %gt3A = arith.cmpf ogt, %dot_general3A_16, %dot_general3A_9 : vector<512x128xf32>
    %max3A_17 = arith.maximumf %dot_general3A_16, %dot_general3A_9 : vector<512x128xf32>
    %jit3A = arith.constant 128 : i32
    %broadcast_in_dim3A_18 = vector.broadcast %jit3A : i32 to vector<512x128xi32>
    %select_n3A = arith.select %gt3A, %broadcast_in_dim3A_18, %broadcast_in_dim3A_11 : vector<512x128xi1>, vector<512x128xi32>
    %get3A_19 = arith.constant 0 : index
    %get3A_20 = arith.constant 256 : index
    %get3A_21 = vector.load %arg2[%get3A_19, %get3A_20] : memref<32x8192xf32, #tpu.memory_space<vmem>>, vector<32x128xf32>
    %dot_general3A_22 = arith.constant dense<0.000000e+00> : vector<512x128xf32>
    %dot_general3A_23 = tpu.matmul %div3A_5, %get3A_21, %dot_general3A_22 {dimension_numbers = #tpu.dot_dimension_numbers<[1], [0], [0], [1], [0, 0, 1, 1], [], []>, transpose_lhs_hint = false} : vector<512x32xf32>, vector<32x128xf32>, vector<512x128xf32> -> vector<512x128xf32>
    %gt3A_24 = arith.cmpf ogt, %dot_general3A_23, %max3A_17 : vector<512x128xf32>
    %max3A_25 = arith.maximumf %dot_general3A_23, %max3A_17 : vector<512x128xf32>
    %jit3A_26 = arith.constant 256 : i32
    %broadcast_in_dim3A_27 = vector.broadcast %jit3A_26 : i32 to vector<512x128xi32>
    %select_n3A_28 = arith.select %gt3A_24, %broadcast_in_dim3A_27, %select_n3A : vector<512x128xi1>, vector<512x128xi32>
    %get3A_29 = arith.constant 0 : index
    %get3A_30 = arith.constant 384 : index
    %get3A_31 = vector.load %arg2[%get3A_29, %get3A_30] : memref<32x8192xf32, #tpu.memory_space<vmem>>, vector<32x128xf32>
    %dot_general3A_32 = arith.constant dense<0.000000e+00> : vector<512x128xf32>
    %dot_general3A_33 = tpu.matmul %div3A_5, %get3A_31, %dot_general3A_32 {dimension_numbers = #tpu.dot_dimension_numbers<[1], [0], [0], [1], [0, 0, 1, 1], [], []>, transpose_lhs_hint = false} : vector<512x32xf32>, vector<32x128xf32>, vector<512x128xf32> -> vector<512x128xf32>
    %gt3A_34 = arith.cmpf ogt, %dot_general3A_33, %max3A_25 : vector<512x128xf32>
    %max3A_35 = arith.maximumf %dot_general3A_33, %max3A_25 : vector<512x128xf32>
    %jit3A_36 = arith.constant 384 : i32
    %broadcast_in_dim3A_37 = vector.broadcast %jit3A_36 : i32 to vector<512x128xi32>
    %select_n3A_38 = arith.select %gt3A_34, %broadcast_in_dim3A_37, %select_n3A_28 : vector<512x128xi1>, vector<512x128xi32>
    %get3A_39 = arith.constant 0 : index
    %get3A_40 = arith.constant 512 : index
    %get3A_41 = vector.load %arg2[%get3A_39, %get3A_40] : memref<32x8192xf32, #tpu.memory_space<vmem>>, vector<32x128xf32>
    %dot_general3A_42 = arith.constant dense<0.000000e+00> : vector<512x128xf32>
    %dot_general3A_43 = tpu.matmul %div3A_5, %get3A_41, %dot_general3A_42 {dimension_numbers = #tpu.dot_dimension_numbers<[1], [0], [0], [1], [0, 0, 1, 1], [], []>, transpose_lhs_hint = false} : vector<512x32xf32>, vector<32x128xf32>, vector<512x128xf32> -> vector<512x128xf32>
    %gt3A_44 = arith.cmpf ogt, %dot_general3A_43, %max3A_35 : vector<512x128xf32>
    %max3A_45 = arith.maximumf %dot_general3A_43, %max3A_35 : vector<512x128xf32>
    %jit3A_46 = arith.constant 512 : i32
    %broadcast_in_dim3A_47 = vector.broadcast %jit3A_46 : i32 to vector<512x128xi32>
    %select_n3A_48 = arith.select %gt3A_44, %broadcast_in_dim3A_47, %select_n3A_38 : vector<512x128xi1>, vector<512x128xi32>
    %get3A_49 = arith.constant 0 : index
    %get3A_50 = arith.constant 640 : index
    %get3A_51 = vector.load %arg2[%get3A_49, %get3A_50] : memref<32x8192xf32, #tpu.memory_space<vmem>>, vector<32x128xf32>
    %dot_general3A_52 = arith.constant dense<0.000000e+00> : vector<512x128xf32>
    %dot_general3A_53 = tpu.matmul %div3A_5, %get3A_51, %dot_general3A_52 {dimension_numbers = #tpu.dot_dimension_numbers<[1], [0], [0], [1], [0, 0, 1, 1], [], []>, transpose_lhs_hint = false} : vector<512x32xf32>, vector<32x128xf32>, vector<512x128xf32> -> vector<512x128xf32>
    %gt3A_54 = arith.cmpf ogt, %dot_general3A_53, %max3A_45 : vector<512x128xf32>
    %max3A_55 = arith.maximumf %dot_general3A_53, %max3A_45 : vector<512x128xf32>
    %jit3A_56 = arith.constant 640 : i32
    %broadcast_in_dim3A_57 = vector.broadcast %jit3A_56 : i32 to vector<512x128xi32>
    %select_n3A_58 = arith.select %gt3A_54, %broadcast_in_dim3A_57, %select_n3A_48 : vector<512x128xi1>, vector<512x128xi32>
    %get3A_59 = arith.constant 0 : index
    %get3A_60 = arith.constant 768 : index
    %get3A_61 = vector.load %arg2[%get3A_59, %get3A_60] : memref<32x8192xf32, #tpu.memory_space<vmem>>, vector<32x128xf32>
    %dot_general3A_62 = arith.constant dense<0.000000e+00> : vector<512x128xf32>
    %dot_general3A_63 = tpu.matmul %div3A_5, %get3A_61, %dot_general3A_62 {dimension_numbers = #tpu.dot_dimension_numbers<[1], [0], [0], [1], [0, 0, 1, 1], [], []>, transpose_lhs_hint = false} : vector<512x32xf32>, vector<32x128xf32>, vector<512x128xf32> -> vector<512x128xf32>
    %gt3A_64 = arith.cmpf ogt, %dot_general3A_63, %max3A_55 : vector<512x128xf32>
    %max3A_65 = arith.maximumf %dot_general3A_63, %max3A_55 : vector<512x128xf32>
    %jit3A_66 = arith.constant 768 : i32
    %broadcast_in_dim3A_67 = vector.broadcast %jit3A_66 : i32 to vector<512x128xi32>
    %select_n3A_68 = arith.select %gt3A_64, %broadcast_in_dim3A_67, %select_n3A_58 : vector<512x128xi1>, vector<512x128xi32>
    %get3A_69 = arith.constant 0 : index
    %get3A_70 = arith.constant 896 : index
    %get3A_71 = vector.load %arg2[%get3A_69, %get3A_70] : memref<32x8192xf32, #tpu.memory_space<vmem>>, vector<32x128xf32>
    %dot_general3A_72 = arith.constant dense<0.000000e+00> : vector<512x128xf32>
    %dot_general3A_73 = tpu.matmul %div3A_5, %get3A_71, %dot_general3A_72 {dimension_numbers = #tpu.dot_dimension_numbers<[1], [0], [0], [1], [0, 0, 1, 1], [], []>, transpose_lhs_hint = false} : vector<512x32xf32>, vector<32x128xf32>, vector<512x128xf32> -> vector<512x128xf32>
    %gt3A_74 = arith.cmpf ogt, %dot_general3A_73, %max3A_65 : vector<512x128xf32>
    %max3A_75 = arith.maximumf %dot_general3A_73, %max3A_65 : vector<512x128xf32>
    %jit3A_76 = arith.constant 896 : i32
    %broadcast_in_dim3A_77 = vector.broadcast %jit3A_76 : i32 to vector<512x128xi32>
    %select_n3A_78 = arith.select %gt3A_74, %broadcast_in_dim3A_77, %select_n3A_68 : vector<512x128xi1>, vector<512x128xi32>
    %get3A_79 = arith.constant 0 : index
    %get3A_80 = arith.constant 1024 : index
    %get3A_81 = vector.load %arg2[%get3A_79, %get3A_80] : memref<32x8192xf32, #tpu.memory_space<vmem>>, vector<32x128xf32>
    %dot_general3A_82 = arith.constant dense<0.000000e+00> : vector<512x128xf32>
    %dot_general3A_83 = tpu.matmul %div3A_5, %get3A_81, %dot_general3A_82 {dimension_numbers = #tpu.dot_dimension_numbers<[1], [0], [0], [1], [0, 0, 1, 1], [], []>, transpose_lhs_hint = false} : vector<512x32xf32>, vector<32x128xf32>, vector<512x128xf32> -> vector<512x128xf32>
    %gt3A_84 = arith.cmpf ogt, %dot_general3A_83, %max3A_75 : vector<512x128xf32>
    %max3A_85 = arith.maximumf %dot_general3A_83, %max3A_75 : vector<512x128xf32>
    %jit3A_86 = arith.constant 1024 : i32
    %broadcast_in_dim3A_87 = vector.broadcast %jit3A_86 : i32 to vector<512x128xi32>
    %select_n3A_88 = arith.select %gt3A_84, %broadcast_in_dim3A_87, %select_n3A_78 : vector<512x128xi1>, vector<512x128xi32>
    %get3A_89 = arith.constant 0 : index
    %get3A_90 = arith.constant 1152 : index
    %get3A_91 = vector.load %arg2[%get3A_89, %get3A_90] : memref<32x8192xf32, #tpu.memory_space<vmem>>, vector<32x128xf32>
    %dot_general3A_92 = arith.constant dense<0.000000e+00> : vector<512x128xf32>
    %dot_general3A_93 = tpu.matmul %div3A_5, %get3A_91, %dot_general3A_92 {dimension_numbers = #tpu.dot_dimension_numbers<[1], [0], [0], [1], [0, 0, 1, 1], [], []>, transpose_lhs_hint = false} : vector<512x32xf32>, vector<32x128xf32>, vector<512x128xf32> -> vector<512x128xf32>
    %gt3A_94 = arith.cmpf ogt, %dot_general3A_93, %max3A_85 : vector<512x128xf32>
    %max3A_95 = arith.maximumf %dot_general3A_93, %max3A_85 : vector<512x128xf32>
    %jit3A_96 = arith.constant 1152 : i32
    %broadcast_in_dim3A_97 = vector.broadcast %jit3A_96 : i32 to vector<512x128xi32>
    %select_n3A_98 = arith.select %gt3A_94, %broadcast_in_dim3A_97, %select_n3A_88 : vector<512x128xi1>, vector<512x128xi32>
    %get3A_99 = arith.constant 0 : index
    %get3A_100 = arith.constant 1280 : index
    %get3A_101 = vector.load %arg2[%get3A_99, %get3A_100] : memref<32x8192xf32, #tpu.memory_space<vmem>>, vector<32x128xf32>
    %dot_general3A_102 = arith.constant dense<0.000000e+00> : vector<512x128xf32>
    %dot_general3A_103 = tpu.matmul %div3A_5, %get3A_101, %dot_general3A_102 {dimension_numbers = #tpu.dot_dimension_numbers<[1], [0], [0], [1], [0, 0, 1, 1], [], []>, transpose_lhs_hint = false} : vector<512x32xf32>, vector<32x128xf32>, vector<512x128xf32> -> vector<512x128xf32>
    %gt3A_104 = arith.cmpf ogt, %dot_general3A_103, %max3A_95 : vector<512x128xf32>
    %max3A_105 = arith.maximumf %dot_general3A_103, %max3A_95 : vector<512x128xf32>
    %jit3A_106 = arith.constant 1280 : i32
    %broadcast_in_dim3A_107 = vector.broadcast %jit3A_106 : i32 to vector<512x128xi32>
    %select_n3A_108 = arith.select %gt3A_104, %broadcast_in_dim3A_107, %select_n3A_98 : vector<512x128xi1>, vector<512x128xi32>
    %get3A_109 = arith.constant 0 : index
    %get3A_110 = arith.constant 1408 : index
    %get3A_111 = vector.load %arg2[%get3A_109, %get3A_110] : memref<32x8192xf32, #tpu.memory_space<vmem>>, vector<32x128xf32>
    %dot_general3A_112 = arith.constant dense<0.000000e+00> : vector<512x128xf32>
    %dot_general3A_113 = tpu.matmul %div3A_5, %get3A_111, %dot_general3A_112 {dimension_numbers = #tpu.dot_dimension_numbers<[1], [0], [0], [1], [0, 0, 1, 1], [], []>, transpose_lhs_hint = false} : vector<512x32xf32>, vector<32x128xf32>, vector<512x128xf32> -> vector<512x128xf32>
    %gt3A_114 = arith.cmpf ogt, %dot_general3A_113, %max3A_105 : vector<512x128xf32>
    %max3A_115 = arith.maximumf %dot_general3A_113, %max3A_105 : vector<512x128xf32>
    %jit3A_116 = arith.constant 1408 : i32
    %broadcast_in_dim3A_117 = vector.broadcast %jit3A_116 : i32 to vector<512x128xi32>
    %select_n3A_118 = arith.select %gt3A_114, %broadcast_in_dim3A_117, %select_n3A_108 : vector<512x128xi1>, vector<512x128xi32>
    %get3A_119 = arith.constant 0 : index
    %get3A_120 = arith.constant 1536 : index
    %get3A_121 = vector.load %arg2[%get3A_119, %get3A_120] : memref<32x8192xf32, #tpu.memory_space<vmem>>, vector<32x128xf32>
    %dot_general3A_122 = arith.constant dense<0.000000e+00> : vector<512x128xf32>
    %dot_general3A_123 = tpu.matmul %div3A_5, %get3A_121, %dot_general3A_122 {dimension_numbers = #tpu.dot_dimension_numbers<[1], [0], [0], [1], [0, 0, 1, 1], [], []>, transpose_lhs_hint = false} : vector<512x32xf32>, vector<32x128xf32>, vector<512x128xf32> -> vector<512x128xf32>
    %gt3A_124 = arith.cmpf ogt, %dot_general3A_123, %max3A_115 : vector<512x128xf32>
    %max3A_125 = arith.maximumf %dot_general3A_123, %max3A_115 : vector<512x128xf32>
    %jit3A_126 = arith.constant 1536 : i32
    %broadcast_in_dim3A_127 = vector.broadcast %jit3A_126 : i32 to vector<512x128xi32>
    %select_n3A_128 = arith.select %gt3A_124, %broadcast_in_dim3A_127, %select_n3A_118 : vector<512x128xi1>, vector<512x128xi32>
    %get3A_129 = arith.constant 0 : index
    %get3A_130 = arith.constant 1664 : index
    %get3A_131 = vector.load %arg2[%get3A_129, %get3A_130] : memref<32x8192xf32, #tpu.memory_space<vmem>>, vector<32x128xf32>
    %dot_general3A_132 = arith.constant dense<0.000000e+00> : vector<512x128xf32>
    %dot_general3A_133 = tpu.matmul %div3A_5, %get3A_131, %dot_general3A_132 {dimension_numbers = #tpu.dot_dimension_numbers<[1], [0], [0], [1], [0, 0, 1, 1], [], []>, transpose_lhs_hint = false} : vector<512x32xf32>, vector<32x128xf32>, vector<512x128xf32> -> vector<512x128xf32>
    %gt3A_134 = arith.cmpf ogt, %dot_general3A_133, %max3A_125 : vector<512x128xf32>
    %max3A_135 = arith.maximumf %dot_general3A_133, %max3A_125 : vector<512x128xf32>
    %jit3A_136 = arith.constant 1664 : i32
    %broadcast_in_dim3A_137 = vector.broadcast %jit3A_136 : i32 to vector<512x128xi32>
    %select_n3A_138 = arith.select %gt3A_134, %broadcast_in_dim3A_137, %select_n3A_128 : vector<512x128xi1>, vector<512x128xi32>
    %get3A_139 = arith.constant 0 : index
    %get3A_140 = arith.constant 1792 : index
    %get3A_141 = vector.load %arg2[%get3A_139, %get3A_140] : memref<32x8192xf32, #tpu.memory_space<vmem>>, vector<32x128xf32>
    %dot_general3A_142 = arith.constant dense<0.000000e+00> : vector<512x128xf32>
    %dot_general3A_143 = tpu.matmul %div3A_5, %get3A_141, %dot_general3A_142 {dimension_numbers = #tpu.dot_dimension_numbers<[1], [0], [0], [1], [0, 0, 1, 1], [], []>, transpose_lhs_hint = false} : vector<512x32xf32>, vector<32x128xf32>, vector<512x128xf32> -> vector<512x128xf32>
    %gt3A_144 = arith.cmpf ogt, %dot_general3A_143, %max3A_135 : vector<512x128xf32>
    %max3A_145 = arith.maximumf %dot_general3A_143, %max3A_135 : vector<512x128xf32>
    %jit3A_146 = arith.constant 1792 : i32
    %broadcast_in_dim3A_147 = vector.broadcast %jit3A_146 : i32 to vector<512x128xi32>
    %select_n3A_148 = arith.select %gt3A_144, %broadcast_in_dim3A_147, %select_n3A_138 : vector<512x128xi1>, vector<512x128xi32>
    %get3A_149 = arith.constant 0 : index
    %get3A_150 = arith.constant 1920 : index
    %get3A_151 = vector.load %arg2[%get3A_149, %get3A_150] : memref<32x8192xf32, #tpu.memory_space<vmem>>, vector<32x128xf32>
    %dot_general3A_152 = arith.constant dense<0.000000e+00> : vector<512x128xf32>
    %dot_general3A_153 = tpu.matmul %div3A_5, %get3A_151, %dot_general3A_152 {dimension_numbers = #tpu.dot_dimension_numbers<[1], [0], [0], [1], [0, 0, 1, 1], [], []>, transpose_lhs_hint = false} : vector<512x32xf32>, vector<32x128xf32>, vector<512x128xf32> -> vector<512x128xf32>
    %gt3A_154 = arith.cmpf ogt, %dot_general3A_153, %max3A_145 : vector<512x128xf32>
    %max3A_155 = arith.maximumf %dot_general3A_153, %max3A_145 : vector<512x128xf32>
    %jit3A_156 = arith.constant 1920 : i32
    %broadcast_in_dim3A_157 = vector.broadcast %jit3A_156 : i32 to vector<512x128xi32>
    %select_n3A_158 = arith.select %gt3A_154, %broadcast_in_dim3A_157, %select_n3A_148 : vector<512x128xi1>, vector<512x128xi32>
    %get3A_159 = arith.constant 0 : index
    %get3A_160 = arith.constant 2048 : index
    %get3A_161 = vector.load %arg2[%get3A_159, %get3A_160] : memref<32x8192xf32, #tpu.memory_space<vmem>>, vector<32x128xf32>
    %dot_general3A_162 = arith.constant dense<0.000000e+00> : vector<512x128xf32>
    %dot_general3A_163 = tpu.matmul %div3A_5, %get3A_161, %dot_general3A_162 {dimension_numbers = #tpu.dot_dimension_numbers<[1], [0], [0], [1], [0, 0, 1, 1], [], []>, transpose_lhs_hint = false} : vector<512x32xf32>, vector<32x128xf32>, vector<512x128xf32> -> vector<512x128xf32>
    %gt3A_164 = arith.cmpf ogt, %dot_general3A_163, %max3A_155 : vector<512x128xf32>
    %max3A_165 = arith.maximumf %dot_general3A_163, %max3A_155 : vector<512x128xf32>
    %jit3A_166 = arith.constant 2048 : i32
    %broadcast_in_dim3A_167 = vector.broadcast %jit3A_166 : i32 to vector<512x128xi32>
    %select_n3A_168 = arith.select %gt3A_164, %broadcast_in_dim3A_167, %select_n3A_158 : vector<512x128xi1>, vector<512x128xi32>
    %get3A_169 = arith.constant 0 : index
    %get3A_170 = arith.constant 2176 : index
    %get3A_171 = vector.load %arg2[%get3A_169, %get3A_170] : memref<32x8192xf32, #tpu.memory_space<vmem>>, vector<32x128xf32>
    %dot_general3A_172 = arith.constant dense<0.000000e+00> : vector<512x128xf32>
    %dot_general3A_173 = tpu.matmul %div3A_5, %get3A_171, %dot_general3A_172 {dimension_numbers = #tpu.dot_dimension_numbers<[1], [0], [0], [1], [0, 0, 1, 1], [], []>, transpose_lhs_hint = false} : vector<512x32xf32>, vector<32x128xf32>, vector<512x128xf32> -> vector<512x128xf32>
    %gt3A_174 = arith.cmpf ogt, %dot_general3A_173, %max3A_165 : vector<512x128xf32>
    %max3A_175 = arith.maximumf %dot_general3A_173, %max3A_165 : vector<512x128xf32>
    %jit3A_176 = arith.constant 2176 : i32
    %broadcast_in_dim3A_177 = vector.broadcast %jit3A_176 : i32 to vector<512x128xi32>
    %select_n3A_178 = arith.select %gt3A_174, %broadcast_in_dim3A_177, %select_n3A_168 : vector<512x128xi1>, vector<512x128xi32>
    %get3A_179 = arith.constant 0 : index
    %get3A_180 = arith.constant 2304 : index
    %get3A_181 = vector.load %arg2[%get3A_179, %get3A_180] : memref<32x8192xf32, #tpu.memory_space<vmem>>, vector<32x128xf32>
    %dot_general3A_182 = arith.constant dense<0.000000e+00> : vector<512x128xf32>
    %dot_general3A_183 = tpu.matmul %div3A_5, %get3A_181, %dot_general3A_182 {dimension_numbers = #tpu.dot_dimension_numbers<[1], [0], [0], [1], [0, 0, 1, 1], [], []>, transpose_lhs_hint = false} : vector<512x32xf32>, vector<32x128xf32>, vector<512x128xf32> -> vector<512x128xf32>
    %gt3A_184 = arith.cmpf ogt, %dot_general3A_183, %max3A_175 : vector<512x128xf32>
    %max3A_185 = arith.maximumf %dot_general3A_183, %max3A_175 : vector<512x128xf32>
    %jit3A_186 = arith.constant 2304 : i32
    %broadcast_in_dim3A_187 = vector.broadcast %jit3A_186 : i32 to vector<512x128xi32>
    %select_n3A_188 = arith.select %gt3A_184, %broadcast_in_dim3A_187, %select_n3A_178 : vector<512x128xi1>, vector<512x128xi32>
    %get3A_189 = arith.constant 0 : index
    %get3A_190 = arith.constant 2432 : index
    %get3A_191 = vector.load %arg2[%get3A_189, %get3A_190] : memref<32x8192xf32, #tpu.memory_space<vmem>>, vector<32x128xf32>
    %dot_general3A_192 = arith.constant dense<0.000000e+00> : vector<512x128xf32>
    %dot_general3A_193 = tpu.matmul %div3A_5, %get3A_191, %dot_general3A_192 {dimension_numbers = #tpu.dot_dimension_numbers<[1], [0], [0], [1], [0, 0, 1, 1], [], []>, transpose_lhs_hint = false} : vector<512x32xf32>, vector<32x128xf32>, vector<512x128xf32> -> vector<512x128xf32>
    %gt3A_194 = arith.cmpf ogt, %dot_general3A_193, %max3A_185 : vector<512x128xf32>
    %max3A_195 = arith.maximumf %dot_general3A_193, %max3A_185 : vector<512x128xf32>
    %jit3A_196 = arith.constant 2432 : i32
    %broadcast_in_dim3A_197 = vector.broadcast %jit3A_196 : i32 to vector<512x128xi32>
    %select_n3A_198 = arith.select %gt3A_194, %broadcast_in_dim3A_197, %select_n3A_188 : vector<512x128xi1>, vector<512x128xi32>
    %get3A_199 = arith.constant 0 : index
    %get3A_200 = arith.constant 2560 : index
    %get3A_201 = vector.load %arg2[%get3A_199, %get3A_200] : memref<32x8192xf32, #tpu.memory_space<vmem>>, vector<32x128xf32>
    %dot_general3A_202 = arith.constant dense<0.000000e+00> : vector<512x128xf32>
    %dot_general3A_203 = tpu.matmul %div3A_5, %get3A_201, %dot_general3A_202 {dimension_numbers = #tpu.dot_dimension_numbers<[1], [0], [0], [1], [0, 0, 1, 1], [], []>, transpose_lhs_hint = false} : vector<512x32xf32>, vector<32x128xf32>, vector<512x128xf32> -> vector<512x128xf32>
    %gt3A_204 = arith.cmpf ogt, %dot_general3A_203, %max3A_195 : vector<512x128xf32>
    %max3A_205 = arith.maximumf %dot_general3A_203, %max3A_195 : vector<512x128xf32>
    %jit3A_206 = arith.constant 2560 : i32
    %broadcast_in_dim3A_207 = vector.broadcast %jit3A_206 : i32 to vector<512x128xi32>
    %select_n3A_208 = arith.select %gt3A_204, %broadcast_in_dim3A_207, %select_n3A_198 : vector<512x128xi1>, vector<512x128xi32>
    %get3A_209 = arith.constant 0 : index
    %get3A_210 = arith.constant 2688 : index
    %get3A_211 = vector.load %arg2[%get3A_209, %get3A_210] : memref<32x8192xf32, #tpu.memory_space<vmem>>, vector<32x128xf32>
    %dot_general3A_212 = arith.constant dense<0.000000e+00> : vector<512x128xf32>
    %dot_general3A_213 = tpu.matmul %div3A_5, %get3A_211, %dot_general3A_212 {dimension_numbers = #tpu.dot_dimension_numbers<[1], [0], [0], [1], [0, 0, 1, 1], [], []>, transpose_lhs_hint = false} : vector<512x32xf32>, vector<32x128xf32>, vector<512x128xf32> -> vector<512x128xf32>
    %gt3A_214 = arith.cmpf ogt, %dot_general3A_213, %max3A_205 : vector<512x128xf32>
    %max3A_215 = arith.maximumf %dot_general3A_213, %max3A_205 : vector<512x128xf32>
    %jit3A_216 = arith.constant 2688 : i32
    %broadcast_in_dim3A_217 = vector.broadcast %jit3A_216 : i32 to vector<512x128xi32>
    %select_n3A_218 = arith.select %gt3A_214, %broadcast_in_dim3A_217, %select_n3A_208 : vector<512x128xi1>, vector<512x128xi32>
    %get3A_219 = arith.constant 0 : index
    %get3A_220 = arith.constant 2816 : index
    %get3A_221 = vector.load %arg2[%get3A_219, %get3A_220] : memref<32x8192xf32, #tpu.memory_space<vmem>>, vector<32x128xf32>
    %dot_general3A_222 = arith.constant dense<0.000000e+00> : vector<512x128xf32>
    %dot_general3A_223 = tpu.matmul %div3A_5, %get3A_221, %dot_general3A_222 {dimension_numbers = #tpu.dot_dimension_numbers<[1], [0], [0], [1], [0, 0, 1, 1], [], []>, transpose_lhs_hint = false} : vector<512x32xf32>, vector<32x128xf32>, vector<512x128xf32> -> vector<512x128xf32>
    %gt3A_224 = arith.cmpf ogt, %dot_general3A_223, %max3A_215 : vector<512x128xf32>
    %max3A_225 = arith.maximumf %dot_general3A_223, %max3A_215 : vector<512x128xf32>
    %jit3A_226 = arith.constant 2816 : i32
    %broadcast_in_dim3A_227 = vector.broadcast %jit3A_226 : i32 to vector<512x128xi32>
    %select_n3A_228 = arith.select %gt3A_224, %broadcast_in_dim3A_227, %select_n3A_218 : vector<512x128xi1>, vector<512x128xi32>
    %get3A_229 = arith.constant 0 : index
    %get3A_230 = arith.constant 2944 : index
    %get3A_231 = vector.load %arg2[%get3A_229, %get3A_230] : memref<32x8192xf32, #tpu.memory_space<vmem>>, vector<32x128xf32>
    %dot_general3A_232 = arith.constant dense<0.000000e+00> : vector<512x128xf32>
    %dot_general3A_233 = tpu.matmul %div3A_5, %get3A_231, %dot_general3A_232 {dimension_numbers = #tpu.dot_dimension_numbers<[1], [0], [0], [1], [0, 0, 1, 1], [], []>, transpose_lhs_hint = false} : vector<512x32xf32>, vector<32x128xf32>, vector<512x128xf32> -> vector<512x128xf32>
    %gt3A_234 = arith.cmpf ogt, %dot_general3A_233, %max3A_225 : vector<512x128xf32>
    %max3A_235 = arith.maximumf %dot_general3A_233, %max3A_225 : vector<512x128xf32>
    %jit3A_236 = arith.constant 2944 : i32
    %broadcast_in_dim3A_237 = vector.broadcast %jit3A_236 : i32 to vector<512x128xi32>
    %select_n3A_238 = arith.select %gt3A_234, %broadcast_in_dim3A_237, %select_n3A_228 : vector<512x128xi1>, vector<512x128xi32>
    %get3A_239 = arith.constant 0 : index
    %get3A_240 = arith.constant 3072 : index
    %get3A_241 = vector.load %arg2[%get3A_239, %get3A_240] : memref<32x8192xf32, #tpu.memory_space<vmem>>, vector<32x128xf32>
    %dot_general3A_242 = arith.constant dense<0.000000e+00> : vector<512x128xf32>
    %dot_general3A_243 = tpu.matmul %div3A_5, %get3A_241, %dot_general3A_242 {dimension_numbers = #tpu.dot_dimension_numbers<[1], [0], [0], [1], [0, 0, 1, 1], [], []>, transpose_lhs_hint = false} : vector<512x32xf32>, vector<32x128xf32>, vector<512x128xf32> -> vector<512x128xf32>
    %gt3A_244 = arith.cmpf ogt, %dot_general3A_243, %max3A_235 : vector<512x128xf32>
    %max3A_245 = arith.maximumf %dot_general3A_243, %max3A_235 : vector<512x128xf32>
    %jit3A_246 = arith.constant 3072 : i32
    %broadcast_in_dim3A_247 = vector.broadcast %jit3A_246 : i32 to vector<512x128xi32>
    %select_n3A_248 = arith.select %gt3A_244, %broadcast_in_dim3A_247, %select_n3A_238 : vector<512x128xi1>, vector<512x128xi32>
    %get3A_249 = arith.constant 0 : index
    %get3A_250 = arith.constant 3200 : index
    %get3A_251 = vector.load %arg2[%get3A_249, %get3A_250] : memref<32x8192xf32, #tpu.memory_space<vmem>>, vector<32x128xf32>
    %dot_general3A_252 = arith.constant dense<0.000000e+00> : vector<512x128xf32>
    %dot_general3A_253 = tpu.matmul %div3A_5, %get3A_251, %dot_general3A_252 {dimension_numbers = #tpu.dot_dimension_numbers<[1], [0], [0], [1], [0, 0, 1, 1], [], []>, transpose_lhs_hint = false} : vector<512x32xf32>, vector<32x128xf32>, vector<512x128xf32> -> vector<512x128xf32>
    %gt3A_254 = arith.cmpf ogt, %dot_general3A_253, %max3A_245 : vector<512x128xf32>
    %max3A_255 = arith.maximumf %dot_general3A_253, %max3A_245 : vector<512x128xf32>
    %jit3A_256 = arith.constant 3200 : i32
    %broadcast_in_dim3A_257 = vector.broadcast %jit3A_256 : i32 to vector<512x128xi32>
    %select_n3A_258 = arith.select %gt3A_254, %broadcast_in_dim3A_257, %select_n3A_248 : vector<512x128xi1>, vector<512x128xi32>
    %get3A_259 = arith.constant 0 : index
    %get3A_260 = arith.constant 3328 : index
    %get3A_261 = vector.load %arg2[%get3A_259, %get3A_260] : memref<32x8192xf32, #tpu.memory_space<vmem>>, vector<32x128xf32>
    %dot_general3A_262 = arith.constant dense<0.000000e+00> : vector<512x128xf32>
    %dot_general3A_263 = tpu.matmul %div3A_5, %get3A_261, %dot_general3A_262 {dimension_numbers = #tpu.dot_dimension_numbers<[1], [0], [0], [1], [0, 0, 1, 1], [], []>, transpose_lhs_hint = false} : vector<512x32xf32>, vector<32x128xf32>, vector<512x128xf32> -> vector<512x128xf32>
    %gt3A_264 = arith.cmpf ogt, %dot_general3A_263, %max3A_255 : vector<512x128xf32>
    %max3A_265 = arith.maximumf %dot_general3A_263, %max3A_255 : vector<512x128xf32>
    %jit3A_266 = arith.constant 3328 : i32
    %broadcast_in_dim3A_267 = vector.broadcast %jit3A_266 : i32 to vector<512x128xi32>
    %select_n3A_268 = arith.select %gt3A_264, %broadcast_in_dim3A_267, %select_n3A_258 : vector<512x128xi1>, vector<512x128xi32>
    %get3A_269 = arith.constant 0 : index
    %get3A_270 = arith.constant 3456 : index
    %get3A_271 = vector.load %arg2[%get3A_269, %get3A_270] : memref<32x8192xf32, #tpu.memory_space<vmem>>, vector<32x128xf32>
    %dot_general3A_272 = arith.constant dense<0.000000e+00> : vector<512x128xf32>
    %dot_general3A_273 = tpu.matmul %div3A_5, %get3A_271, %dot_general3A_272 {dimension_numbers = #tpu.dot_dimension_numbers<[1], [0], [0], [1], [0, 0, 1, 1], [], []>, transpose_lhs_hint = false} : vector<512x32xf32>, vector<32x128xf32>, vector<512x128xf32> -> vector<512x128xf32>
    %gt3A_274 = arith.cmpf ogt, %dot_general3A_273, %max3A_265 : vector<512x128xf32>
    %max3A_275 = arith.maximumf %dot_general3A_273, %max3A_265 : vector<512x128xf32>
    %jit3A_276 = arith.constant 3456 : i32
    %broadcast_in_dim3A_277 = vector.broadcast %jit3A_276 : i32 to vector<512x128xi32>
    %select_n3A_278 = arith.select %gt3A_274, %broadcast_in_dim3A_277, %select_n3A_268 : vector<512x128xi1>, vector<512x128xi32>
    %get3A_279 = arith.constant 0 : index
    %get3A_280 = arith.constant 3584 : index
    %get3A_281 = vector.load %arg2[%get3A_279, %get3A_280] : memref<32x8192xf32, #tpu.memory_space<vmem>>, vector<32x128xf32>
    %dot_general3A_282 = arith.constant dense<0.000000e+00> : vector<512x128xf32>
    %dot_general3A_283 = tpu.matmul %div3A_5, %get3A_281, %dot_general3A_282 {dimension_numbers = #tpu.dot_dimension_numbers<[1], [0], [0], [1], [0, 0, 1, 1], [], []>, transpose_lhs_hint = false} : vector<512x32xf32>, vector<32x128xf32>, vector<512x128xf32> -> vector<512x128xf32>
    %gt3A_284 = arith.cmpf ogt, %dot_general3A_283, %max3A_275 : vector<512x128xf32>
    %max3A_285 = arith.maximumf %dot_general3A_283, %max3A_275 : vector<512x128xf32>
    %jit3A_286 = arith.constant 3584 : i32
    %broadcast_in_dim3A_287 = vector.broadcast %jit3A_286 : i32 to vector<512x128xi32>
    %select_n3A_288 = arith.select %gt3A_284, %broadcast_in_dim3A_287, %select_n3A_278 : vector<512x128xi1>, vector<512x128xi32>
    %get3A_289 = arith.constant 0 : index
    %get3A_290 = arith.constant 3712 : index
    %get3A_291 = vector.load %arg2[%get3A_289, %get3A_290] : memref<32x8192xf32, #tpu.memory_space<vmem>>, vector<32x128xf32>
    %dot_general3A_292 = arith.constant dense<0.000000e+00> : vector<512x128xf32>
    %dot_general3A_293 = tpu.matmul %div3A_5, %get3A_291, %dot_general3A_292 {dimension_numbers = #tpu.dot_dimension_numbers<[1], [0], [0], [1], [0, 0, 1, 1], [], []>, transpose_lhs_hint = false} : vector<512x32xf32>, vector<32x128xf32>, vector<512x128xf32> -> vector<512x128xf32>
    %gt3A_294 = arith.cmpf ogt, %dot_general3A_293, %max3A_285 : vector<512x128xf32>
    %max3A_295 = arith.maximumf %dot_general3A_293, %max3A_285 : vector<512x128xf32>
    %jit3A_296 = arith.constant 3712 : i32
    %broadcast_in_dim3A_297 = vector.broadcast %jit3A_296 : i32 to vector<512x128xi32>
    %select_n3A_298 = arith.select %gt3A_294, %broadcast_in_dim3A_297, %select_n3A_288 : vector<512x128xi1>, vector<512x128xi32>
    %get3A_299 = arith.constant 0 : index
    %get3A_300 = arith.constant 3840 : index
    %get3A_301 = vector.load %arg2[%get3A_299, %get3A_300] : memref<32x8192xf32, #tpu.memory_space<vmem>>, vector<32x128xf32>
    %dot_general3A_302 = arith.constant dense<0.000000e+00> : vector<512x128xf32>
    %dot_general3A_303 = tpu.matmul %div3A_5, %get3A_301, %dot_general3A_302 {dimension_numbers = #tpu.dot_dimension_numbers<[1], [0], [0], [1], [0, 0, 1, 1], [], []>, transpose_lhs_hint = false} : vector<512x32xf32>, vector<32x128xf32>, vector<512x128xf32> -> vector<512x128xf32>
    %gt3A_304 = arith.cmpf ogt, %dot_general3A_303, %max3A_295 : vector<512x128xf32>
    %max3A_305 = arith.maximumf %dot_general3A_303, %max3A_295 : vector<512x128xf32>
    %jit3A_306 = arith.constant 3840 : i32
    %broadcast_in_dim3A_307 = vector.broadcast %jit3A_306 : i32 to vector<512x128xi32>
    %select_n3A_308 = arith.select %gt3A_304, %broadcast_in_dim3A_307, %select_n3A_298 : vector<512x128xi1>, vector<512x128xi32>
    %get3A_309 = arith.constant 0 : index
    %get3A_310 = arith.constant 3968 : index
    %get3A_311 = vector.load %arg2[%get3A_309, %get3A_310] : memref<32x8192xf32, #tpu.memory_space<vmem>>, vector<32x128xf32>
    %dot_general3A_312 = arith.constant dense<0.000000e+00> : vector<512x128xf32>
    %dot_general3A_313 = tpu.matmul %div3A_5, %get3A_311, %dot_general3A_312 {dimension_numbers = #tpu.dot_dimension_numbers<[1], [0], [0], [1], [0, 0, 1, 1], [], []>, transpose_lhs_hint = false} : vector<512x32xf32>, vector<32x128xf32>, vector<512x128xf32> -> vector<512x128xf32>
    %gt3A_314 = arith.cmpf ogt, %dot_general3A_313, %max3A_305 : vector<512x128xf32>
    %max3A_315 = arith.maximumf %dot_general3A_313, %max3A_305 : vector<512x128xf32>
    %jit3A_316 = arith.constant 3968 : i32
    %broadcast_in_dim3A_317 = vector.broadcast %jit3A_316 : i32 to vector<512x128xi32>
    %select_n3A_318 = arith.select %gt3A_314, %broadcast_in_dim3A_317, %select_n3A_308 : vector<512x128xi1>, vector<512x128xi32>
    %get3A_319 = arith.constant 0 : index
    %get3A_320 = arith.constant 4096 : index
    %get3A_321 = vector.load %arg2[%get3A_319, %get3A_320] : memref<32x8192xf32, #tpu.memory_space<vmem>>, vector<32x128xf32>
    %dot_general3A_322 = arith.constant dense<0.000000e+00> : vector<512x128xf32>
    %dot_general3A_323 = tpu.matmul %div3A_5, %get3A_321, %dot_general3A_322 {dimension_numbers = #tpu.dot_dimension_numbers<[1], [0], [0], [1], [0, 0, 1, 1], [], []>, transpose_lhs_hint = false} : vector<512x32xf32>, vector<32x128xf32>, vector<512x128xf32> -> vector<512x128xf32>
    %gt3A_324 = arith.cmpf ogt, %dot_general3A_323, %max3A_315 : vector<512x128xf32>
    %max3A_325 = arith.maximumf %dot_general3A_323, %max3A_315 : vector<512x128xf32>
    %jit3A_326 = arith.constant 4096 : i32
    %broadcast_in_dim3A_327 = vector.broadcast %jit3A_326 : i32 to vector<512x128xi32>
    %select_n3A_328 = arith.select %gt3A_324, %broadcast_in_dim3A_327, %select_n3A_318 : vector<512x128xi1>, vector<512x128xi32>
    %get3A_329 = arith.constant 0 : index
    %get3A_330 = arith.constant 4224 : index
    %get3A_331 = vector.load %arg2[%get3A_329, %get3A_330] : memref<32x8192xf32, #tpu.memory_space<vmem>>, vector<32x128xf32>
    %dot_general3A_332 = arith.constant dense<0.000000e+00> : vector<512x128xf32>
    %dot_general3A_333 = tpu.matmul %div3A_5, %get3A_331, %dot_general3A_332 {dimension_numbers = #tpu.dot_dimension_numbers<[1], [0], [0], [1], [0, 0, 1, 1], [], []>, transpose_lhs_hint = false} : vector<512x32xf32>, vector<32x128xf32>, vector<512x128xf32> -> vector<512x128xf32>
    %gt3A_334 = arith.cmpf ogt, %dot_general3A_333, %max3A_325 : vector<512x128xf32>
    %max3A_335 = arith.maximumf %dot_general3A_333, %max3A_325 : vector<512x128xf32>
    %jit3A_336 = arith.constant 4224 : i32
    %broadcast_in_dim3A_337 = vector.broadcast %jit3A_336 : i32 to vector<512x128xi32>
    %select_n3A_338 = arith.select %gt3A_334, %broadcast_in_dim3A_337, %select_n3A_328 : vector<512x128xi1>, vector<512x128xi32>
    %get3A_339 = arith.constant 0 : index
    %get3A_340 = arith.constant 4352 : index
    %get3A_341 = vector.load %arg2[%get3A_339, %get3A_340] : memref<32x8192xf32, #tpu.memory_space<vmem>>, vector<32x128xf32>
    %dot_general3A_342 = arith.constant dense<0.000000e+00> : vector<512x128xf32>
    %dot_general3A_343 = tpu.matmul %div3A_5, %get3A_341, %dot_general3A_342 {dimension_numbers = #tpu.dot_dimension_numbers<[1], [0], [0], [1], [0, 0, 1, 1], [], []>, transpose_lhs_hint = false} : vector<512x32xf32>, vector<32x128xf32>, vector<512x128xf32> -> vector<512x128xf32>
    %gt3A_344 = arith.cmpf ogt, %dot_general3A_343, %max3A_335 : vector<512x128xf32>
    %max3A_345 = arith.maximumf %dot_general3A_343, %max3A_335 : vector<512x128xf32>
    %jit3A_346 = arith.constant 4352 : i32
    %broadcast_in_dim3A_347 = vector.broadcast %jit3A_346 : i32 to vector<512x128xi32>
    %select_n3A_348 = arith.select %gt3A_344, %broadcast_in_dim3A_347, %select_n3A_338 : vector<512x128xi1>, vector<512x128xi32>
    %get3A_349 = arith.constant 0 : index
    %get3A_350 = arith.constant 4480 : index
    %get3A_351 = vector.load %arg2[%get3A_349, %get3A_350] : memref<32x8192xf32, #tpu.memory_space<vmem>>, vector<32x128xf32>
    %dot_general3A_352 = arith.constant dense<0.000000e+00> : vector<512x128xf32>
    %dot_general3A_353 = tpu.matmul %div3A_5, %get3A_351, %dot_general3A_352 {dimension_numbers = #tpu.dot_dimension_numbers<[1], [0], [0], [1], [0, 0, 1, 1], [], []>, transpose_lhs_hint = false} : vector<512x32xf32>, vector<32x128xf32>, vector<512x128xf32> -> vector<512x128xf32>
    %gt3A_354 = arith.cmpf ogt, %dot_general3A_353, %max3A_345 : vector<512x128xf32>
    %max3A_355 = arith.maximumf %dot_general3A_353, %max3A_345 : vector<512x128xf32>
    %jit3A_356 = arith.constant 4480 : i32
    %broadcast_in_dim3A_357 = vector.broadcast %jit3A_356 : i32 to vector<512x128xi32>
    %select_n3A_358 = arith.select %gt3A_354, %broadcast_in_dim3A_357, %select_n3A_348 : vector<512x128xi1>, vector<512x128xi32>
    %get3A_359 = arith.constant 0 : index
    %get3A_360 = arith.constant 4608 : index
    %get3A_361 = vector.load %arg2[%get3A_359, %get3A_360] : memref<32x8192xf32, #tpu.memory_space<vmem>>, vector<32x128xf32>
    %dot_general3A_362 = arith.constant dense<0.000000e+00> : vector<512x128xf32>
    %dot_general3A_363 = tpu.matmul %div3A_5, %get3A_361, %dot_general3A_362 {dimension_numbers = #tpu.dot_dimension_numbers<[1], [0], [0], [1], [0, 0, 1, 1], [], []>, transpose_lhs_hint = false} : vector<512x32xf32>, vector<32x128xf32>, vector<512x128xf32> -> vector<512x128xf32>
    %gt3A_364 = arith.cmpf ogt, %dot_general3A_363, %max3A_355 : vector<512x128xf32>
    %max3A_365 = arith.maximumf %dot_general3A_363, %max3A_355 : vector<512x128xf32>
    %jit3A_366 = arith.constant 4608 : i32
    %broadcast_in_dim3A_367 = vector.broadcast %jit3A_366 : i32 to vector<512x128xi32>
    %select_n3A_368 = arith.select %gt3A_364, %broadcast_in_dim3A_367, %select_n3A_358 : vector<512x128xi1>, vector<512x128xi32>
    %get3A_369 = arith.constant 0 : index
    %get3A_370 = arith.constant 4736 : index
    %get3A_371 = vector.load %arg2[%get3A_369, %get3A_370] : memref<32x8192xf32, #tpu.memory_space<vmem>>, vector<32x128xf32>
    %dot_general3A_372 = arith.constant dense<0.000000e+00> : vector<512x128xf32>
    %dot_general3A_373 = tpu.matmul %div3A_5, %get3A_371, %dot_general3A_372 {dimension_numbers = #tpu.dot_dimension_numbers<[1], [0], [0], [1], [0, 0, 1, 1], [], []>, transpose_lhs_hint = false} : vector<512x32xf32>, vector<32x128xf32>, vector<512x128xf32> -> vector<512x128xf32>
    %gt3A_374 = arith.cmpf ogt, %dot_general3A_373, %max3A_365 : vector<512x128xf32>
    %max3A_375 = arith.maximumf %dot_general3A_373, %max3A_365 : vector<512x128xf32>
    %jit3A_376 = arith.constant 4736 : i32
    %broadcast_in_dim3A_377 = vector.broadcast %jit3A_376 : i32 to vector<512x128xi32>
    %select_n3A_378 = arith.select %gt3A_374, %broadcast_in_dim3A_377, %select_n3A_368 : vector<512x128xi1>, vector<512x128xi32>
    %get3A_379 = arith.constant 0 : index
    %get3A_380 = arith.constant 4864 : index
    %get3A_381 = vector.load %arg2[%get3A_379, %get3A_380] : memref<32x8192xf32, #tpu.memory_space<vmem>>, vector<32x128xf32>
    %dot_general3A_382 = arith.constant dense<0.000000e+00> : vector<512x128xf32>
    %dot_general3A_383 = tpu.matmul %div3A_5, %get3A_381, %dot_general3A_382 {dimension_numbers = #tpu.dot_dimension_numbers<[1], [0], [0], [1], [0, 0, 1, 1], [], []>, transpose_lhs_hint = false} : vector<512x32xf32>, vector<32x128xf32>, vector<512x128xf32> -> vector<512x128xf32>
    %gt3A_384 = arith.cmpf ogt, %dot_general3A_383, %max3A_375 : vector<512x128xf32>
    %max3A_385 = arith.maximumf %dot_general3A_383, %max3A_375 : vector<512x128xf32>
    %jit3A_386 = arith.constant 4864 : i32
    %broadcast_in_dim3A_387 = vector.broadcast %jit3A_386 : i32 to vector<512x128xi32>
    %select_n3A_388 = arith.select %gt3A_384, %broadcast_in_dim3A_387, %select_n3A_378 : vector<512x128xi1>, vector<512x128xi32>
    %get3A_389 = arith.constant 0 : index
    %get3A_390 = arith.constant 4992 : index
    %get3A_391 = vector.load %arg2[%get3A_389, %get3A_390] : memref<32x8192xf32, #tpu.memory_space<vmem>>, vector<32x128xf32>
    %dot_general3A_392 = arith.constant dense<0.000000e+00> : vector<512x128xf32>
    %dot_general3A_393 = tpu.matmul %div3A_5, %get3A_391, %dot_general3A_392 {dimension_numbers = #tpu.dot_dimension_numbers<[1], [0], [0], [1], [0, 0, 1, 1], [], []>, transpose_lhs_hint = false} : vector<512x32xf32>, vector<32x128xf32>, vector<512x128xf32> -> vector<512x128xf32>
    %gt3A_394 = arith.cmpf ogt, %dot_general3A_393, %max3A_385 : vector<512x128xf32>
    %max3A_395 = arith.maximumf %dot_general3A_393, %max3A_385 : vector<512x128xf32>
    %jit3A_396 = arith.constant 4992 : i32
    %broadcast_in_dim3A_397 = vector.broadcast %jit3A_396 : i32 to vector<512x128xi32>
    %select_n3A_398 = arith.select %gt3A_394, %broadcast_in_dim3A_397, %select_n3A_388 : vector<512x128xi1>, vector<512x128xi32>
    %get3A_399 = arith.constant 0 : index
    %get3A_400 = arith.constant 5120 : index
    %get3A_401 = vector.load %arg2[%get3A_399, %get3A_400] : memref<32x8192xf32, #tpu.memory_space<vmem>>, vector<32x128xf32>
    %dot_general3A_402 = arith.constant dense<0.000000e+00> : vector<512x128xf32>
    %dot_general3A_403 = tpu.matmul %div3A_5, %get3A_401, %dot_general3A_402 {dimension_numbers = #tpu.dot_dimension_numbers<[1], [0], [0], [1], [0, 0, 1, 1], [], []>, transpose_lhs_hint = false} : vector<512x32xf32>, vector<32x128xf32>, vector<512x128xf32> -> vector<512x128xf32>
    %gt3A_404 = arith.cmpf ogt, %dot_general3A_403, %max3A_395 : vector<512x128xf32>
    %max3A_405 = arith.maximumf %dot_general3A_403, %max3A_395 : vector<512x128xf32>
    %jit3A_406 = arith.constant 5120 : i32
    %broadcast_in_dim3A_407 = vector.broadcast %jit3A_406 : i32 to vector<512x128xi32>
    %select_n3A_408 = arith.select %gt3A_404, %broadcast_in_dim3A_407, %select_n3A_398 : vector<512x128xi1>, vector<512x128xi32>
    %get3A_409 = arith.constant 0 : index
    %get3A_410 = arith.constant 5248 : index
    %get3A_411 = vector.load %arg2[%get3A_409, %get3A_410] : memref<32x8192xf32, #tpu.memory_space<vmem>>, vector<32x128xf32>
    %dot_general3A_412 = arith.constant dense<0.000000e+00> : vector<512x128xf32>
    %dot_general3A_413 = tpu.matmul %div3A_5, %get3A_411, %dot_general3A_412 {dimension_numbers = #tpu.dot_dimension_numbers<[1], [0], [0], [1], [0, 0, 1, 1], [], []>, transpose_lhs_hint = false} : vector<512x32xf32>, vector<32x128xf32>, vector<512x128xf32> -> vector<512x128xf32>
    %gt3A_414 = arith.cmpf ogt, %dot_general3A_413, %max3A_405 : vector<512x128xf32>
    %max3A_415 = arith.maximumf %dot_general3A_413, %max3A_405 : vector<512x128xf32>
    %jit3A_416 = arith.constant 5248 : i32
    %broadcast_in_dim3A_417 = vector.broadcast %jit3A_416 : i32 to vector<512x128xi32>
    %select_n3A_418 = arith.select %gt3A_414, %broadcast_in_dim3A_417, %select_n3A_408 : vector<512x128xi1>, vector<512x128xi32>
    %get3A_419 = arith.constant 0 : index
    %get3A_420 = arith.constant 5376 : index
    %get3A_421 = vector.load %arg2[%get3A_419, %get3A_420] : memref<32x8192xf32, #tpu.memory_space<vmem>>, vector<32x128xf32>
    %dot_general3A_422 = arith.constant dense<0.000000e+00> : vector<512x128xf32>
    %dot_general3A_423 = tpu.matmul %div3A_5, %get3A_421, %dot_general3A_422 {dimension_numbers = #tpu.dot_dimension_numbers<[1], [0], [0], [1], [0, 0, 1, 1], [], []>, transpose_lhs_hint = false} : vector<512x32xf32>, vector<32x128xf32>, vector<512x128xf32> -> vector<512x128xf32>
    %gt3A_424 = arith.cmpf ogt, %dot_general3A_423, %max3A_415 : vector<512x128xf32>
    %max3A_425 = arith.maximumf %dot_general3A_423, %max3A_415 : vector<512x128xf32>
    %jit3A_426 = arith.constant 5376 : i32
    %broadcast_in_dim3A_427 = vector.broadcast %jit3A_426 : i32 to vector<512x128xi32>
    %select_n3A_428 = arith.select %gt3A_424, %broadcast_in_dim3A_427, %select_n3A_418 : vector<512x128xi1>, vector<512x128xi32>
    %get3A_429 = arith.constant 0 : index
    %get3A_430 = arith.constant 5504 : index
    %get3A_431 = vector.load %arg2[%get3A_429, %get3A_430] : memref<32x8192xf32, #tpu.memory_space<vmem>>, vector<32x128xf32>
    %dot_general3A_432 = arith.constant dense<0.000000e+00> : vector<512x128xf32>
    %dot_general3A_433 = tpu.matmul %div3A_5, %get3A_431, %dot_general3A_432 {dimension_numbers = #tpu.dot_dimension_numbers<[1], [0], [0], [1], [0, 0, 1, 1], [], []>, transpose_lhs_hint = false} : vector<512x32xf32>, vector<32x128xf32>, vector<512x128xf32> -> vector<512x128xf32>
    %gt3A_434 = arith.cmpf ogt, %dot_general3A_433, %max3A_425 : vector<512x128xf32>
    %max3A_435 = arith.maximumf %dot_general3A_433, %max3A_425 : vector<512x128xf32>
    %jit3A_436 = arith.constant 5504 : i32
    %broadcast_in_dim3A_437 = vector.broadcast %jit3A_436 : i32 to vector<512x128xi32>
    %select_n3A_438 = arith.select %gt3A_434, %broadcast_in_dim3A_437, %select_n3A_428 : vector<512x128xi1>, vector<512x128xi32>
    %get3A_439 = arith.constant 0 : index
    %get3A_440 = arith.constant 5632 : index
    %get3A_441 = vector.load %arg2[%get3A_439, %get3A_440] : memref<32x8192xf32, #tpu.memory_space<vmem>>, vector<32x128xf32>
    %dot_general3A_442 = arith.constant dense<0.000000e+00> : vector<512x128xf32>
    %dot_general3A_443 = tpu.matmul %div3A_5, %get3A_441, %dot_general3A_442 {dimension_numbers = #tpu.dot_dimension_numbers<[1], [0], [0], [1], [0, 0, 1, 1], [], []>, transpose_lhs_hint = false} : vector<512x32xf32>, vector<32x128xf32>, vector<512x128xf32> -> vector<512x128xf32>
    %gt3A_444 = arith.cmpf ogt, %dot_general3A_443, %max3A_435 : vector<512x128xf32>
    %max3A_445 = arith.maximumf %dot_general3A_443, %max3A_435 : vector<512x128xf32>
    %jit3A_446 = arith.constant 5632 : i32
    %broadcast_in_dim3A_447 = vector.broadcast %jit3A_446 : i32 to vector<512x128xi32>
    %select_n3A_448 = arith.select %gt3A_444, %broadcast_in_dim3A_447, %select_n3A_438 : vector<512x128xi1>, vector<512x128xi32>
    %get3A_449 = arith.constant 0 : index
    %get3A_450 = arith.constant 5760 : index
    %get3A_451 = vector.load %arg2[%get3A_449, %get3A_450] : memref<32x8192xf32, #tpu.memory_space<vmem>>, vector<32x128xf32>
    %dot_general3A_452 = arith.constant dense<0.000000e+00> : vector<512x128xf32>
    %dot_general3A_453 = tpu.matmul %div3A_5, %get3A_451, %dot_general3A_452 {dimension_numbers = #tpu.dot_dimension_numbers<[1], [0], [0], [1], [0, 0, 1, 1], [], []>, transpose_lhs_hint = false} : vector<512x32xf32>, vector<32x128xf32>, vector<512x128xf32> -> vector<512x128xf32>
    %gt3A_454 = arith.cmpf ogt, %dot_general3A_453, %max3A_445 : vector<512x128xf32>
    %max3A_455 = arith.maximumf %dot_general3A_453, %max3A_445 : vector<512x128xf32>
    %jit3A_456 = arith.constant 5760 : i32
    %broadcast_in_dim3A_457 = vector.broadcast %jit3A_456 : i32 to vector<512x128xi32>
    %select_n3A_458 = arith.select %gt3A_454, %broadcast_in_dim3A_457, %select_n3A_448 : vector<512x128xi1>, vector<512x128xi32>
    %get3A_459 = arith.constant 0 : index
    %get3A_460 = arith.constant 5888 : index
    %get3A_461 = vector.load %arg2[%get3A_459, %get3A_460] : memref<32x8192xf32, #tpu.memory_space<vmem>>, vector<32x128xf32>
    %dot_general3A_462 = arith.constant dense<0.000000e+00> : vector<512x128xf32>
    %dot_general3A_463 = tpu.matmul %div3A_5, %get3A_461, %dot_general3A_462 {dimension_numbers = #tpu.dot_dimension_numbers<[1], [0], [0], [1], [0, 0, 1, 1], [], []>, transpose_lhs_hint = false} : vector<512x32xf32>, vector<32x128xf32>, vector<512x128xf32> -> vector<512x128xf32>
    %gt3A_464 = arith.cmpf ogt, %dot_general3A_463, %max3A_455 : vector<512x128xf32>
    %max3A_465 = arith.maximumf %dot_general3A_463, %max3A_455 : vector<512x128xf32>
    %jit3A_466 = arith.constant 5888 : i32
    %broadcast_in_dim3A_467 = vector.broadcast %jit3A_466 : i32 to vector<512x128xi32>
    %select_n3A_468 = arith.select %gt3A_464, %broadcast_in_dim3A_467, %select_n3A_458 : vector<512x128xi1>, vector<512x128xi32>
    %get3A_469 = arith.constant 0 : index
    %get3A_470 = arith.constant 6016 : index
    %get3A_471 = vector.load %arg2[%get3A_469, %get3A_470] : memref<32x8192xf32, #tpu.memory_space<vmem>>, vector<32x128xf32>
    %dot_general3A_472 = arith.constant dense<0.000000e+00> : vector<512x128xf32>
    %dot_general3A_473 = tpu.matmul %div3A_5, %get3A_471, %dot_general3A_472 {dimension_numbers = #tpu.dot_dimension_numbers<[1], [0], [0], [1], [0, 0, 1, 1], [], []>, transpose_lhs_hint = false} : vector<512x32xf32>, vector<32x128xf32>, vector<512x128xf32> -> vector<512x128xf32>
    %gt3A_474 = arith.cmpf ogt, %dot_general3A_473, %max3A_465 : vector<512x128xf32>
    %max3A_475 = arith.maximumf %dot_general3A_473, %max3A_465 : vector<512x128xf32>
    %jit3A_476 = arith.constant 6016 : i32
    %broadcast_in_dim3A_477 = vector.broadcast %jit3A_476 : i32 to vector<512x128xi32>
    %select_n3A_478 = arith.select %gt3A_474, %broadcast_in_dim3A_477, %select_n3A_468 : vector<512x128xi1>, vector<512x128xi32>
    %get3A_479 = arith.constant 0 : index
    %get3A_480 = arith.constant 6144 : index
    %get3A_481 = vector.load %arg2[%get3A_479, %get3A_480] : memref<32x8192xf32, #tpu.memory_space<vmem>>, vector<32x128xf32>
    %dot_general3A_482 = arith.constant dense<0.000000e+00> : vector<512x128xf32>
    %dot_general3A_483 = tpu.matmul %div3A_5, %get3A_481, %dot_general3A_482 {dimension_numbers = #tpu.dot_dimension_numbers<[1], [0], [0], [1], [0, 0, 1, 1], [], []>, transpose_lhs_hint = false} : vector<512x32xf32>, vector<32x128xf32>, vector<512x128xf32> -> vector<512x128xf32>
    %gt3A_484 = arith.cmpf ogt, %dot_general3A_483, %max3A_475 : vector<512x128xf32>
    %max3A_485 = arith.maximumf %dot_general3A_483, %max3A_475 : vector<512x128xf32>
    %jit3A_486 = arith.constant 6144 : i32
    %broadcast_in_dim3A_487 = vector.broadcast %jit3A_486 : i32 to vector<512x128xi32>
    %select_n3A_488 = arith.select %gt3A_484, %broadcast_in_dim3A_487, %select_n3A_478 : vector<512x128xi1>, vector<512x128xi32>
    %get3A_489 = arith.constant 0 : index
    %get3A_490 = arith.constant 6272 : index
    %get3A_491 = vector.load %arg2[%get3A_489, %get3A_490] : memref<32x8192xf32, #tpu.memory_space<vmem>>, vector<32x128xf32>
    %dot_general3A_492 = arith.constant dense<0.000000e+00> : vector<512x128xf32>
    %dot_general3A_493 = tpu.matmul %div3A_5, %get3A_491, %dot_general3A_492 {dimension_numbers = #tpu.dot_dimension_numbers<[1], [0], [0], [1], [0, 0, 1, 1], [], []>, transpose_lhs_hint = false} : vector<512x32xf32>, vector<32x128xf32>, vector<512x128xf32> -> vector<512x128xf32>
    %gt3A_494 = arith.cmpf ogt, %dot_general3A_493, %max3A_485 : vector<512x128xf32>
    %max3A_495 = arith.maximumf %dot_general3A_493, %max3A_485 : vector<512x128xf32>
    %jit3A_496 = arith.constant 6272 : i32
    %broadcast_in_dim3A_497 = vector.broadcast %jit3A_496 : i32 to vector<512x128xi32>
    %select_n3A_498 = arith.select %gt3A_494, %broadcast_in_dim3A_497, %select_n3A_488 : vector<512x128xi1>, vector<512x128xi32>
    %get3A_499 = arith.constant 0 : index
    %get3A_500 = arith.constant 6400 : index
    %get3A_501 = vector.load %arg2[%get3A_499, %get3A_500] : memref<32x8192xf32, #tpu.memory_space<vmem>>, vector<32x128xf32>
    %dot_general3A_502 = arith.constant dense<0.000000e+00> : vector<512x128xf32>
    %dot_general3A_503 = tpu.matmul %div3A_5, %get3A_501, %dot_general3A_502 {dimension_numbers = #tpu.dot_dimension_numbers<[1], [0], [0], [1], [0, 0, 1, 1], [], []>, transpose_lhs_hint = false} : vector<512x32xf32>, vector<32x128xf32>, vector<512x128xf32> -> vector<512x128xf32>
    %gt3A_504 = arith.cmpf ogt, %dot_general3A_503, %max3A_495 : vector<512x128xf32>
    %max3A_505 = arith.maximumf %dot_general3A_503, %max3A_495 : vector<512x128xf32>
    %jit3A_506 = arith.constant 6400 : i32
    %broadcast_in_dim3A_507 = vector.broadcast %jit3A_506 : i32 to vector<512x128xi32>
    %select_n3A_508 = arith.select %gt3A_504, %broadcast_in_dim3A_507, %select_n3A_498 : vector<512x128xi1>, vector<512x128xi32>
    %get3A_509 = arith.constant 0 : index
    %get3A_510 = arith.constant 6528 : index
    %get3A_511 = vector.load %arg2[%get3A_509, %get3A_510] : memref<32x8192xf32, #tpu.memory_space<vmem>>, vector<32x128xf32>
    %dot_general3A_512 = arith.constant dense<0.000000e+00> : vector<512x128xf32>
    %dot_general3A_513 = tpu.matmul %div3A_5, %get3A_511, %dot_general3A_512 {dimension_numbers = #tpu.dot_dimension_numbers<[1], [0], [0], [1], [0, 0, 1, 1], [], []>, transpose_lhs_hint = false} : vector<512x32xf32>, vector<32x128xf32>, vector<512x128xf32> -> vector<512x128xf32>
    %gt3A_514 = arith.cmpf ogt, %dot_general3A_513, %max3A_505 : vector<512x128xf32>
    %max3A_515 = arith.maximumf %dot_general3A_513, %max3A_505 : vector<512x128xf32>
    %jit3A_516 = arith.constant 6528 : i32
    %broadcast_in_dim3A_517 = vector.broadcast %jit3A_516 : i32 to vector<512x128xi32>
    %select_n3A_518 = arith.select %gt3A_514, %broadcast_in_dim3A_517, %select_n3A_508 : vector<512x128xi1>, vector<512x128xi32>
    %get3A_519 = arith.constant 0 : index
    %get3A_520 = arith.constant 6656 : index
    %get3A_521 = vector.load %arg2[%get3A_519, %get3A_520] : memref<32x8192xf32, #tpu.memory_space<vmem>>, vector<32x128xf32>
    %dot_general3A_522 = arith.constant dense<0.000000e+00> : vector<512x128xf32>
    %dot_general3A_523 = tpu.matmul %div3A_5, %get3A_521, %dot_general3A_522 {dimension_numbers = #tpu.dot_dimension_numbers<[1], [0], [0], [1], [0, 0, 1, 1], [], []>, transpose_lhs_hint = false} : vector<512x32xf32>, vector<32x128xf32>, vector<512x128xf32> -> vector<512x128xf32>
    %gt3A_524 = arith.cmpf ogt, %dot_general3A_523, %max3A_515 : vector<512x128xf32>
    %max3A_525 = arith.maximumf %dot_general3A_523, %max3A_515 : vector<512x128xf32>
    %jit3A_526 = arith.constant 6656 : i32
    %broadcast_in_dim3A_527 = vector.broadcast %jit3A_526 : i32 to vector<512x128xi32>
    %select_n3A_528 = arith.select %gt3A_524, %broadcast_in_dim3A_527, %select_n3A_518 : vector<512x128xi1>, vector<512x128xi32>
    %get3A_529 = arith.constant 0 : index
    %get3A_530 = arith.constant 6784 : index
    %get3A_531 = vector.load %arg2[%get3A_529, %get3A_530] : memref<32x8192xf32, #tpu.memory_space<vmem>>, vector<32x128xf32>
    %dot_general3A_532 = arith.constant dense<0.000000e+00> : vector<512x128xf32>
    %dot_general3A_533 = tpu.matmul %div3A_5, %get3A_531, %dot_general3A_532 {dimension_numbers = #tpu.dot_dimension_numbers<[1], [0], [0], [1], [0, 0, 1, 1], [], []>, transpose_lhs_hint = false} : vector<512x32xf32>, vector<32x128xf32>, vector<512x128xf32> -> vector<512x128xf32>
    %gt3A_534 = arith.cmpf ogt, %dot_general3A_533, %max3A_525 : vector<512x128xf32>
    %max3A_535 = arith.maximumf %dot_general3A_533, %max3A_525 : vector<512x128xf32>
    %jit3A_536 = arith.constant 6784 : i32
    %broadcast_in_dim3A_537 = vector.broadcast %jit3A_536 : i32 to vector<512x128xi32>
    %select_n3A_538 = arith.select %gt3A_534, %broadcast_in_dim3A_537, %select_n3A_528 : vector<512x128xi1>, vector<512x128xi32>
    %get3A_539 = arith.constant 0 : index
    %get3A_540 = arith.constant 6912 : index
    %get3A_541 = vector.load %arg2[%get3A_539, %get3A_540] : memref<32x8192xf32, #tpu.memory_space<vmem>>, vector<32x128xf32>
    %dot_general3A_542 = arith.constant dense<0.000000e+00> : vector<512x128xf32>
    %dot_general3A_543 = tpu.matmul %div3A_5, %get3A_541, %dot_general3A_542 {dimension_numbers = #tpu.dot_dimension_numbers<[1], [0], [0], [1], [0, 0, 1, 1], [], []>, transpose_lhs_hint = false} : vector<512x32xf32>, vector<32x128xf32>, vector<512x128xf32> -> vector<512x128xf32>
    %gt3A_544 = arith.cmpf ogt, %dot_general3A_543, %max3A_535 : vector<512x128xf32>
    %max3A_545 = arith.maximumf %dot_general3A_543, %max3A_535 : vector<512x128xf32>
    %jit3A_546 = arith.constant 6912 : i32
    %broadcast_in_dim3A_547 = vector.broadcast %jit3A_546 : i32 to vector<512x128xi32>
    %select_n3A_548 = arith.select %gt3A_544, %broadcast_in_dim3A_547, %select_n3A_538 : vector<512x128xi1>, vector<512x128xi32>
    %get3A_549 = arith.constant 0 : index
    %get3A_550 = arith.constant 7040 : index
    %get3A_551 = vector.load %arg2[%get3A_549, %get3A_550] : memref<32x8192xf32, #tpu.memory_space<vmem>>, vector<32x128xf32>
    %dot_general3A_552 = arith.constant dense<0.000000e+00> : vector<512x128xf32>
    %dot_general3A_553 = tpu.matmul %div3A_5, %get3A_551, %dot_general3A_552 {dimension_numbers = #tpu.dot_dimension_numbers<[1], [0], [0], [1], [0, 0, 1, 1], [], []>, transpose_lhs_hint = false} : vector<512x32xf32>, vector<32x128xf32>, vector<512x128xf32> -> vector<512x128xf32>
    %gt3A_554 = arith.cmpf ogt, %dot_general3A_553, %max3A_545 : vector<512x128xf32>
    %max3A_555 = arith.maximumf %dot_general3A_553, %max3A_545 : vector<512x128xf32>
    %jit3A_556 = arith.constant 7040 : i32
    %broadcast_in_dim3A_557 = vector.broadcast %jit3A_556 : i32 to vector<512x128xi32>
    %select_n3A_558 = arith.select %gt3A_554, %broadcast_in_dim3A_557, %select_n3A_548 : vector<512x128xi1>, vector<512x128xi32>
    %get3A_559 = arith.constant 0 : index
    %get3A_560 = arith.constant 7168 : index
    %get3A_561 = vector.load %arg2[%get3A_559, %get3A_560] : memref<32x8192xf32, #tpu.memory_space<vmem>>, vector<32x128xf32>
    %dot_general3A_562 = arith.constant dense<0.000000e+00> : vector<512x128xf32>
    %dot_general3A_563 = tpu.matmul %div3A_5, %get3A_561, %dot_general3A_562 {dimension_numbers = #tpu.dot_dimension_numbers<[1], [0], [0], [1], [0, 0, 1, 1], [], []>, transpose_lhs_hint = false} : vector<512x32xf32>, vector<32x128xf32>, vector<512x128xf32> -> vector<512x128xf32>
    %gt3A_564 = arith.cmpf ogt, %dot_general3A_563, %max3A_555 : vector<512x128xf32>
    %max3A_565 = arith.maximumf %dot_general3A_563, %max3A_555 : vector<512x128xf32>
    %jit3A_566 = arith.constant 7168 : i32
    %broadcast_in_dim3A_567 = vector.broadcast %jit3A_566 : i32 to vector<512x128xi32>
    %select_n3A_568 = arith.select %gt3A_564, %broadcast_in_dim3A_567, %select_n3A_558 : vector<512x128xi1>, vector<512x128xi32>
    %get3A_569 = arith.constant 0 : index
    %get3A_570 = arith.constant 7296 : index
    %get3A_571 = vector.load %arg2[%get3A_569, %get3A_570] : memref<32x8192xf32, #tpu.memory_space<vmem>>, vector<32x128xf32>
    %dot_general3A_572 = arith.constant dense<0.000000e+00> : vector<512x128xf32>
    %dot_general3A_573 = tpu.matmul %div3A_5, %get3A_571, %dot_general3A_572 {dimension_numbers = #tpu.dot_dimension_numbers<[1], [0], [0], [1], [0, 0, 1, 1], [], []>, transpose_lhs_hint = false} : vector<512x32xf32>, vector<32x128xf32>, vector<512x128xf32> -> vector<512x128xf32>
    %gt3A_574 = arith.cmpf ogt, %dot_general3A_573, %max3A_565 : vector<512x128xf32>
    %max3A_575 = arith.maximumf %dot_general3A_573, %max3A_565 : vector<512x128xf32>
    %jit3A_576 = arith.constant 7296 : i32
    %broadcast_in_dim3A_577 = vector.broadcast %jit3A_576 : i32 to vector<512x128xi32>
    %select_n3A_578 = arith.select %gt3A_574, %broadcast_in_dim3A_577, %select_n3A_568 : vector<512x128xi1>, vector<512x128xi32>
    %get3A_579 = arith.constant 0 : index
    %get3A_580 = arith.constant 7424 : index
    %get3A_581 = vector.load %arg2[%get3A_579, %get3A_580] : memref<32x8192xf32, #tpu.memory_space<vmem>>, vector<32x128xf32>
    %dot_general3A_582 = arith.constant dense<0.000000e+00> : vector<512x128xf32>
    %dot_general3A_583 = tpu.matmul %div3A_5, %get3A_581, %dot_general3A_582 {dimension_numbers = #tpu.dot_dimension_numbers<[1], [0], [0], [1], [0, 0, 1, 1], [], []>, transpose_lhs_hint = false} : vector<512x32xf32>, vector<32x128xf32>, vector<512x128xf32> -> vector<512x128xf32>
    %gt3A_584 = arith.cmpf ogt, %dot_general3A_583, %max3A_575 : vector<512x128xf32>
    %max3A_585 = arith.maximumf %dot_general3A_583, %max3A_575 : vector<512x128xf32>
    %jit3A_586 = arith.constant 7424 : i32
    %broadcast_in_dim3A_587 = vector.broadcast %jit3A_586 : i32 to vector<512x128xi32>
    %select_n3A_588 = arith.select %gt3A_584, %broadcast_in_dim3A_587, %select_n3A_578 : vector<512x128xi1>, vector<512x128xi32>
    %get3A_589 = arith.constant 0 : index
    %get3A_590 = arith.constant 7552 : index
    %get3A_591 = vector.load %arg2[%get3A_589, %get3A_590] : memref<32x8192xf32, #tpu.memory_space<vmem>>, vector<32x128xf32>
    %dot_general3A_592 = arith.constant dense<0.000000e+00> : vector<512x128xf32>
    %dot_general3A_593 = tpu.matmul %div3A_5, %get3A_591, %dot_general3A_592 {dimension_numbers = #tpu.dot_dimension_numbers<[1], [0], [0], [1], [0, 0, 1, 1], [], []>, transpose_lhs_hint = false} : vector<512x32xf32>, vector<32x128xf32>, vector<512x128xf32> -> vector<512x128xf32>
    %gt3A_594 = arith.cmpf ogt, %dot_general3A_593, %max3A_585 : vector<512x128xf32>
    %max3A_595 = arith.maximumf %dot_general3A_593, %max3A_585 : vector<512x128xf32>
    %jit3A_596 = arith.constant 7552 : i32
    %broadcast_in_dim3A_597 = vector.broadcast %jit3A_596 : i32 to vector<512x128xi32>
    %select_n3A_598 = arith.select %gt3A_594, %broadcast_in_dim3A_597, %select_n3A_588 : vector<512x128xi1>, vector<512x128xi32>
    %get3A_599 = arith.constant 0 : index
    %get3A_600 = arith.constant 7680 : index
    %get3A_601 = vector.load %arg2[%get3A_599, %get3A_600] : memref<32x8192xf32, #tpu.memory_space<vmem>>, vector<32x128xf32>
    %dot_general3A_602 = arith.constant dense<0.000000e+00> : vector<512x128xf32>
    %dot_general3A_603 = tpu.matmul %div3A_5, %get3A_601, %dot_general3A_602 {dimension_numbers = #tpu.dot_dimension_numbers<[1], [0], [0], [1], [0, 0, 1, 1], [], []>, transpose_lhs_hint = false} : vector<512x32xf32>, vector<32x128xf32>, vector<512x128xf32> -> vector<512x128xf32>
    %gt3A_604 = arith.cmpf ogt, %dot_general3A_603, %max3A_595 : vector<512x128xf32>
    %max3A_605 = arith.maximumf %dot_general3A_603, %max3A_595 : vector<512x128xf32>
    %jit3A_606 = arith.constant 7680 : i32
    %broadcast_in_dim3A_607 = vector.broadcast %jit3A_606 : i32 to vector<512x128xi32>
    %select_n3A_608 = arith.select %gt3A_604, %broadcast_in_dim3A_607, %select_n3A_598 : vector<512x128xi1>, vector<512x128xi32>
    %get3A_609 = arith.constant 0 : index
    %get3A_610 = arith.constant 7808 : index
    %get3A_611 = vector.load %arg2[%get3A_609, %get3A_610] : memref<32x8192xf32, #tpu.memory_space<vmem>>, vector<32x128xf32>
    %dot_general3A_612 = arith.constant dense<0.000000e+00> : vector<512x128xf32>
    %dot_general3A_613 = tpu.matmul %div3A_5, %get3A_611, %dot_general3A_612 {dimension_numbers = #tpu.dot_dimension_numbers<[1], [0], [0], [1], [0, 0, 1, 1], [], []>, transpose_lhs_hint = false} : vector<512x32xf32>, vector<32x128xf32>, vector<512x128xf32> -> vector<512x128xf32>
    %gt3A_614 = arith.cmpf ogt, %dot_general3A_613, %max3A_605 : vector<512x128xf32>
    %max3A_615 = arith.maximumf %dot_general3A_613, %max3A_605 : vector<512x128xf32>
    %jit3A_616 = arith.constant 7808 : i32
    %broadcast_in_dim3A_617 = vector.broadcast %jit3A_616 : i32 to vector<512x128xi32>
    %select_n3A_618 = arith.select %gt3A_614, %broadcast_in_dim3A_617, %select_n3A_608 : vector<512x128xi1>, vector<512x128xi32>
    %get3A_619 = arith.constant 0 : index
    %get3A_620 = arith.constant 7936 : index
    %get3A_621 = vector.load %arg2[%get3A_619, %get3A_620] : memref<32x8192xf32, #tpu.memory_space<vmem>>, vector<32x128xf32>
    %dot_general3A_622 = arith.constant dense<0.000000e+00> : vector<512x128xf32>
    %dot_general3A_623 = tpu.matmul %div3A_5, %get3A_621, %dot_general3A_622 {dimension_numbers = #tpu.dot_dimension_numbers<[1], [0], [0], [1], [0, 0, 1, 1], [], []>, transpose_lhs_hint = false} : vector<512x32xf32>, vector<32x128xf32>, vector<512x128xf32> -> vector<512x128xf32>
    %gt3A_624 = arith.cmpf ogt, %dot_general3A_623, %max3A_615 : vector<512x128xf32>
    %max3A_625 = arith.maximumf %dot_general3A_623, %max3A_615 : vector<512x128xf32>
    %jit3A_626 = arith.constant 7936 : i32
    %broadcast_in_dim3A_627 = vector.broadcast %jit3A_626 : i32 to vector<512x128xi32>
    %select_n3A_628 = arith.select %gt3A_624, %broadcast_in_dim3A_627, %select_n3A_618 : vector<512x128xi1>, vector<512x128xi32>
    %get3A_629 = arith.constant 0 : index
    %get3A_630 = arith.constant 8064 : index
    %get3A_631 = vector.load %arg2[%get3A_629, %get3A_630] : memref<32x8192xf32, #tpu.memory_space<vmem>>, vector<32x128xf32>
    %dot_general3A_632 = arith.constant dense<0.000000e+00> : vector<512x128xf32>
    %dot_general3A_633 = tpu.matmul %div3A_5, %get3A_631, %dot_general3A_632 {dimension_numbers = #tpu.dot_dimension_numbers<[1], [0], [0], [1], [0, 0, 1, 1], [], []>, transpose_lhs_hint = false} : vector<512x32xf32>, vector<32x128xf32>, vector<512x128xf32> -> vector<512x128xf32>
    %gt3A_634 = arith.cmpf ogt, %dot_general3A_633, %max3A_625 : vector<512x128xf32>
    %max3A_635 = arith.maximumf %dot_general3A_633, %max3A_625 : vector<512x128xf32>
    %jit3A_636 = arith.constant 8064 : i32
    %broadcast_in_dim3A_637 = vector.broadcast %jit3A_636 : i32 to vector<512x128xi32>
    %select_n3A_638 = arith.select %gt3A_634, %broadcast_in_dim3A_637, %select_n3A_628 : vector<512x128xi1>, vector<512x128xi32>
    %iota3A = tpu.iota {dimensions = array<i32: 1>} : vector<512x128xi32>
    %add3A = arith.addi %select_n3A_638, %iota3A : vector<512x128xi32>
    %reduce_max3A = arith.constant dense<0xFF800000> : vector<512xf32>
    %reduce_max3A_639 = vector.multi_reduction <maximumf>, %max3A_635, %reduce_max3A [1] : vector<512x128xf32> to vector<512xf32>
    %broadcast_in_dim3A_640 = vector.shape_cast %reduce_max3A_639 : vector<512xf32> to vector<512x1xf32>
    %eq3A = vector.broadcast %broadcast_in_dim3A_640 : vector<512x1xf32> to vector<512x128xf32>
    %eq3A_641 = arith.cmpf oeq, %max3A_635, %eq3A : vector<512x128xf32>
    %jit3A_642 = arith.constant 8192 : i32
    %broadcast_in_dim3A_643 = vector.broadcast %jit3A_642 : i32 to vector<512x128xi32>
    %select_n3A_644 = arith.select %eq3A_641, %add3A, %broadcast_in_dim3A_643 : vector<512x128xi1>, vector<512x128xi32>
    %reduce_min3A = arith.constant dense<2147483647> : vector<512xi32>
    %reduce_min3A_645 = vector.multi_reduction <minsi>, %select_n3A_644, %reduce_min3A [1] : vector<512x128xi32> to vector<512xi32>
    %swap3A = arith.constant 0 : index
    %swap3A_646 = vector.load %arg3[%swap3A] : memref<512xi32, #tpu.memory_space<vmem>>, vector<512xi32>
    tpu.vector_store %arg3[%swap3A], %reduce_min3A_645 {strides = array<i32>} : memref<512xi32, #tpu.memory_space<vmem>>, vector<512xi32>,
    return
  }
  func.func @transform_0(%arg0: i32) -> (i32, i32) {
    %c0_i32 = arith.constant 0 : i32
    %c0_i32_0 = arith.constant 0 : i32
    return %arg0, %c0_i32 : i32, i32
  }
  func.func @transform_1(%arg0: i32) -> (i32, i32) {
    %c0_i32 = arith.constant 0 : i32
    %c0_i32_0 = arith.constant 0 : i32
    %c0_i32_1 = arith.constant 0 : i32
    return %c0_i32, %c0_i32_0 : i32, i32
  }
  func.func @transform_2(%arg0: i32) -> i32 {
    %c0_i32 = arith.constant 0 : i32
    return %arg0 : i32
  }
}

module attributes {stable_mosaic.version = 14 : i64} {
  func.func @_stats_kernel(%arg0: memref<2x8192xf32, #tpu.memory_space<vmem>>, %arg1: memref<2xf32, #tpu.memory_space<vmem>>) attributes {dimension_semantics = [], scalar_prefetch = 0 : i64, scratch_operands = 0 : i64, tpu.core_type = #tpu.core_type<tc>} {
    %get3A = arith.constant 0 : index
    %get3A_0 = arith.constant 0 : index
    %get3A_1 = vector.load %arg0[%get3A, %get3A_0] : memref<2x8192xf32, #tpu.memory_space<vmem>>, vector<1x8192xf32>
    %get3A_2 = vector.shape_cast %get3A_1 : vector<1x8192xf32> to vector<8192xf32>
    %get3A_3 = arith.constant 1 : index
    %get3A_4 = arith.constant 0 : index
    %get3A_5 = vector.load %arg0[%get3A_3, %get3A_4] : memref<2x8192xf32, #tpu.memory_space<vmem>>, vector<1x8192xf32>
    %get3A_6 = vector.shape_cast %get3A_5 : vector<1x8192xf32> to vector<8192xf32>
    %add3A = arith.addf %get3A_2, %get3A_6 : vector<8192xf32>
    %reduce_sum3A = vector.shape_cast %add3A : vector<8192xf32> to vector<1x8192xf32>
    %reduce_sum3A_7 = arith.constant dense<0.000000e+00> : vector<1xf32>
    %reduce_sum3A_8 = vector.multi_reduction <add>, %reduce_sum3A, %reduce_sum3A_7 [1] : vector<1x8192xf32> to vector<1xf32>
    %reduce_sum3A_9 = vector.shape_cast %reduce_sum3A_8 : vector<1xf32> to vector<1x1xf32>
    %reduce_sum3A_10 = vector.extract %reduce_sum3A_9[0, 0] : f32 from vector<1x1xf32>
    %max3A = arith.constant 1.000000e+00 : f32
    %max3A_11 = arith.maximumf %reduce_sum3A_10, %max3A : f32
    %div3A = vector.broadcast %max3A_11 : f32 to vector<8192xf32>
    %div3A_12 = arith.divf %add3A, %div3A : vector<8192xf32>
    %gt3A = arith.constant 0.000000e+00 : f32
    %gt3A_13 = vector.broadcast %gt3A : f32 to vector<8192xf32>
    %gt3A_14 = arith.cmpf ogt, %div3A_12, %gt3A_13 : vector<8192xf32>
    %jit3A = arith.constant 1.000000e+00 : f32
    %broadcast_in_dim3A = vector.broadcast %jit3A : f32 to vector<8192xf32>
    %select_n3A = arith.select %gt3A_14, %div3A_12, %broadcast_in_dim3A : vector<8192xi1>, vector<8192xf32>
    %log3A = math.log %select_n3A : vector<8192xf32>
    %mul3A = arith.mulf %div3A_12, %log3A : vector<8192xf32>
    %reduce_sum3A_15 = vector.shape_cast %mul3A : vector<8192xf32> to vector<1x8192xf32>
    %reduce_sum3A_16 = arith.constant dense<0.000000e+00> : vector<1xf32>
    %reduce_sum3A_17 = vector.multi_reduction <add>, %reduce_sum3A_15, %reduce_sum3A_16 [1] : vector<1x8192xf32> to vector<1xf32>
    %reduce_sum3A_18 = vector.shape_cast %reduce_sum3A_17 : vector<1xf32> to vector<1x1xf32>
    %reduce_sum3A_19 = vector.extract %reduce_sum3A_18[0, 0] : f32 from vector<1x1xf32>
    %neg3A = arith.constant 0.000000e+00 : f32
    %neg3A_20 = arith.subf %neg3A, %reduce_sum3A_19 : f32
    %exp3A = math.exp %neg3A_20 : f32
    %eq3A = arith.constant 0.000000e+00 : f32
    %eq3A_21 = vector.broadcast %eq3A : f32 to vector<8192xf32>
    %eq3A_22 = arith.cmpf oeq, %add3A, %eq3A_21 : vector<8192xf32>
    %convert_element_type3A = arith.extui %eq3A_22 : vector<8192xi1> to vector<8192xi32>
    %convert_element_type3A_23 = arith.sitofp %convert_element_type3A : vector<8192xi32> to vector<8192xf32>
    %reduce_sum3A_24 = vector.shape_cast %convert_element_type3A_23 : vector<8192xf32> to vector<1x8192xf32>
    %reduce_sum3A_25 = arith.constant dense<0.000000e+00> : vector<1xf32>
    %reduce_sum3A_26 = vector.multi_reduction <add>, %reduce_sum3A_24, %reduce_sum3A_25 [1] : vector<1x8192xf32> to vector<1xf32>
    %reduce_sum3A_27 = vector.shape_cast %reduce_sum3A_26 : vector<1xf32> to vector<1x1xf32>
    %reduce_sum3A_28 = vector.extract %reduce_sum3A_27[0, 0] : f32 from vector<1x1xf32>
    %div3A_29 = arith.constant 8.192000e+03 : f32
    %div3A_30 = arith.divf %reduce_sum3A_28, %div3A_29 : f32
    %iota3A = tpu.iota {dimensions = array<i32: 1>} : vector<1x2xi32>
    %iota3A_31 = vector.shape_cast %iota3A : vector<1x2xi32> to vector<2xi32>
    %eq3A_32 = arith.constant 0 : i32
    %eq3A_33 = vector.broadcast %eq3A_32 : i32 to vector<2xi32>
    %eq3A_34 = arith.cmpi eq, %iota3A_31, %eq3A_33 : vector<2xi32>
    %broadcast_in_dim3A_35 = vector.broadcast %exp3A : f32 to vector<2xf32>
    %broadcast_in_dim3A_36 = vector.broadcast %div3A_30 : f32 to vector<2xf32>
    %select_n3A_37 = arith.select %eq3A_34, %broadcast_in_dim3A_35, %broadcast_in_dim3A_36 : vector<2xi1>, vector<2xf32>
    %swap3A = arith.constant 0 : index
    %swap3A_38 = vector.load %arg1[%swap3A] : memref<2xf32, #tpu.memory_space<vmem>>, vector<2xf32>
    tpu.vector_store %arg1[%swap3A], %select_n3A_37 {strides = array<i32>} : memref<2xf32, #tpu.memory_space<vmem>>, vector<2xf32>,
    return
  }
}

</mosaic_0001>

<sc_bundles>
// kernel: kernel.5.cloned.1.call-start
scs
__scs_entry_jumppad:
0x0: {  	(pc) =	sbr.rel $0x88, $3  }
0x1: {  	(tag) =	ssettag $0x0;
	lr =	simm.s32 $0x1  }
0x2: {  	[smem:$0x3F9F] =	sst lr;
	_ =	strace $0xD0000000  }
0x3: {  	_ = 	snop  }
0x4: {  	_ = 	snop  }
0x5: {  	_ = 	snop  }
0x6: {  	_ = 	snop  }
0x7: {  	_ = 	snop  }
__scs_overlays_trampoline_lowered:
0x8: {  	[smem:$0x3FAE] =	sst s0  }
0x9: {  	[smem:$0x3FAF] =	sst s1  }
0xa: {  	[smem:$0x3FB0] =	sst s2  }
0xb: {  	[smem:$0x3FB1] =	sst s3  }
0xc: {  	[smem:$0x3FB2] =	sst s4  }
0xd: {  	[smem:$0x3FB3] =	sst s5  }
0xe: {  	[smem:$0x3FB4] =	sst s6  }
0xf: {  	[smem:$0x3FB5] =	sst s7  }
0x10: {  	[smem:$0x3FB6] =	sst s8  }
0x11: {  	[smem:$0x3FB7] =	sst s9;
	s0 =	simm.s32 @!p0 $0x0  }
0x12: {  	s1 =	sld [smem:$0x3F9D];
	s0 =	simm.s32 @p0 $0x1  }
0x13: {  	[smem:$0x3FB8] =	sst s0;
	s0 =	simm.s32 @!p1 $0x0  }
0x14: {  	s2 =	sld [smem:$0x3F9C];
	s0 =	simm.s32 @p1 $0x1  }
0x15: {  	[smem:$0x3FB9] =	sst s0;
	s0 =	simm.s32 @!p2 $0x0  }
0x16: {  	s3 =	sld [smem:$0x3FDB];
	s0 =	simm.s32 @p2 $0x1  }
0x17: {  	s4 =	simm.s32 $0x1BF5;
	[smem:$0x3FBB] =	sst s0  }
0x18: {  	s0 =	sld [smem:$0x3F9E];
	_ =	swait.ge [sflag:s4], $0x0  }
0x19: {  	s7 =	sld [smem:$0x3F9F]  }
0x1a: {  	s8 =	sadd.s32 $0xFFFFE003, lr  }
0x1b: {  	s9 =	sadd.s32 $0xFFFFFEF7, lr;
	s5 =	simm.s32 $0xFFFFFFFF;
	p2 =	slt.u32 s8, $0xFFFFF086  }
0x1c: {  	p1 =	slt.u32 s9, $0xF7A;
	s5 =	simm.s32 @!p2 $0x0  }
0x1d: {  	s5 =	simm.s32 @p1 $0x1;
	p0 =	seq.s32 s7, s2  }
0x1e: {  	s7 =	smul.u32 @!p0 $0xF7A, s2;
	p2 =	seq.s32 @!p0 s5, $0x0  }
0x1f: {  	s9 =	smul.u32 $0xF7A, s1;
	s8 =	simm.s32 @!p0 $0x1BF5;
	p2 =	por !p2, p0  }
0x20: {  	[sflag:s8] =	ssyncset.s32 @!p0 $0xFFFFF086;
	s6 =	sadd.s32 @!p0 s3, s7;
	s7 =	simm.s32 @!p0 $0x108  }
0x21: {  	s3 =	sadd.s32 s3, s9;
	s6 =	sadd.s32 @!p0 $0x88, s6;
	s7 =	simm.s32 @p2 $0x1082  }
0x22: {  	[simem:s7], [sflag:s8] =	dma.local @!p0 [hbm:s6], $0xF7A  }
0x23: {  	s9 =	sor.u32 $0xD0000000, s2;
	s6 =	simm.s32 $0x108;
	_ =	swait.ge @!p0 [sflag:s8], $0x0  }
0x24: {  	s3 =	sadd.s32 $0x88, s3;
	s6 =	simm.s32 @!p1 $0x1082;
	[sflag:s4] =	ssyncset.s32 $0xFFFFF086  }
0x25: {  	[simem:s6], [sflag:s4] =	dma.local [hbm:s3], $0xF7A  }
0x26: {  	[smem:$0x3F9F] =	sst s1;
	(tag) =	ssettag s2;
	_ =	strace s9  }
0x27: {  	s1 =	sld [smem:$0x3FAF]  }
0x28: {  	s2 =	sld [smem:$0x3FB0]  }
0x29: {  	s4 =	sld [smem:$0x3FB2]  }
0x2a: {  	p0 =	seq.s32 s5, $0x0;
	s5 =	sld [smem:$0x3FB3]  }
0x2b: {  	s6 =	sld [smem:$0x3FB4]  }
0x2c: {  	s7 =	sld [smem:$0x3FB5]  }
0x2d: {  	s3 =	simm.s32 $0x108;
	s8 =	sld [smem:$0x3FB6]  }
0x2e: {  	s3 =	simm.s32 @!p0 $0x1082;
	s9 =	sld [smem:$0x3FB7]  }
0x2f: {  	lr =	sadd.s32 s0, s3;
	s0 =	sld [smem:$0x3FAE]  }
0x30: {  	s3 =	sld [smem:$0x3FB1]  }
0x31: {  	[smem:$0x3FBA] =	sst s10  }
0x32: {  	s10 =	sld [smem:$0x3FB8];
	_ =	sdelay $0x3  }
0x33: {  	p0 =	seq.s32 s10, $0x1;
	s10 =	sld [smem:$0x3FBA];
	_ =	sdelay $0x3  }
0x34: {  	[smem:$0x3FBA] =	sst s10  }
0x35: {  	s10 =	sld [smem:$0x3FB9];
	_ =	sdelay $0x3  }
0x36: {  	p1 =	seq.s32 s10, $0x1;
	s10 =	sld [smem:$0x3FBA];
	_ =	sdelay $0x3  }
0x37: {  	[smem:$0x3FBA] =	sst s10  }
0x38: {  	s10 =	sld [smem:$0x3FBB]  }
0x39: {  	_ = 	snop;
	(pc) =	sbr.ind lr, $3  }
0x3a: {  	_ = 	snop  }
0x3b: {  	_ = 	snop  }
0x3c: {  	p2 =	seq.s32 s10, $0x1;
	s10 =	sld [smem:$0x3FBA]  }
0x3d: {  	_ =	shalt  }
0x3e: {  	_ =	shalt  }
0x3f: {  	_ =	shalt  }
0x40: {  	_ =	shalt  }
0x41: {  	_ =	shalt  }
0x42: {  	_ =	shalt  }
0x43: {  	_ =	shalt  }
0x44: {  	_ =	shalt  }
0x45: {  	_ =	shalt  }
0x46: {  	_ =	shalt  }
0x47: {  	_ =	shalt  }
0x48: {  	_ =	shalt  }
0x49: {  	_ =	shalt  }
0x4a: {  	_ =	shalt  }
0x4b: {  	_ =	shalt  }
0x4c: {  	_ =	shalt  }
0x4d: {  	_ =	shalt  }
0x4e: {  	_ =	shalt  }
0x4f: {  	_ =	shalt  }
0x50: {  	_ =	shalt  }
0x51: {  	_ =	shalt  }
0x52: {  	_ =	shalt  }
0x53: {  	_ =	shalt  }
0x54: {  	_ =	shalt  }
0x55: {  	_ =	shalt  }
0x56: {  	_ =	shalt  }
0x57: {  	_ =	shalt  }
0x58: {  	_ =	shalt  }
0x59: {  	_ =	shalt  }
0x5a: {  	_ =	shalt  }
0x5b: {  	_ =	shalt  }
0x5c: {  	_ =	shalt  }
0x5d: {  	_ =	shalt  }
0x5e: {  	_ =	shalt  }
0x5f: {  	_ =	shalt  }
0x60: {  	_ =	shalt  }
0x61: {  	_ =	shalt  }
0x62: {  	_ =	shalt  }
0x63: {  	_ =	shalt  }
0x64: {  	_ =	shalt  }
0x65: {  	_ =	shalt  }
0x66: {  	_ =	shalt  }
0x67: {  	_ =	shalt  }
0x68: {  	_ =	shalt  }
0x69: {  	_ =	shalt  }
0x6a: {  	_ =	shalt  }
0x6b: {  	_ =	shalt  }
0x6c: {  	_ =	shalt  }
0x6d: {  	_ =	shalt  }
0x6e: {  	_ =	shalt  }
0x6f: {  	_ =	shalt  }
0x70: {  	_ =	shalt  }
0x71: {  	_ =	shalt  }
0x72: {  	_ =	shalt  }
0x73: {  	_ =	shalt  }
0x74: {  	_ =	shalt  }
0x75: {  	_ =	shalt  }
0x76: {  	_ =	shalt  }
0x77: {  	_ =	shalt  }
0x78: {  	_ =	shalt  }
0x79: {  	_ =	shalt  }
0x7a: {  	_ =	shalt  }
0x7b: {  	_ =	shalt  }
0x7c: {  	_ =	shalt  }
0x7d: {  	_ =	shalt  }
0x7e: {  	_ =	shalt  }
0x7f: {  	_ =	shalt  }
0x80: {  	_ =	shalt  }
0x81: {  	_ =	shalt  }
0x82: {  	_ =	shalt  }
0x83: {  	_ =	shalt  }
0x84: {  	_ =	shalt  }
0x85: {  	_ =	shalt  }
0x86: {  	_ =	shalt  }
0x87: {  	_ =	shalt  }
.Lfunc_end0:
.L_simem_size_0:
called_computation_lowered:
.L_overlay_start_0:
0x88: {  	s2 =	sld [smem:$0x3FD9]  }
0x89: {  	s3 =	sld [smem:$0x3FFE];
	_ =	sdelay $0x1  }
0x8a: {  	s1 =	srdreg.scid  }
0x8b: {  	s0 =	sand.u32 $0x1, s1  }
0x8c: {  	s14 =	sshll.u32 s0, $0xA;
	s2 =	sadd.s32 s3, s2  }
0x8d: {  	s2 =	sadd.s32 s2, s14  }
0x8e: {  	[smem:$0x3FC6] =	sst s2  }
0x8f: {  	_ = 	snop  }
0x90: {  	s2 =	sld [smem:$0x3FD0];
	_ =	sdelay $0x2  }
0x91: {  	s15 =	simm.s32 $0xA;
	s4 =	simm.s32 $0x10  }
0x92: {  	[smem:s4], [sflag:s15] =	dma.local [hbm:s2], $0x1  }
0x93: {  	_ =	swait.eq [sflag:s15], $0x1  }
0x94: {  	[sflag:s15] =	ssyncset.done $0x0  }
0x95: {  	s16 =	sld [smem:$0x10];
	[sflag:s15] =	ssyncadd.s32 $0xFFFFFFFF  }
0x96: {  	s17 =	sld [smem:$0x11];
	(tm) =	ssettm $0x1  }
0x97: {  	s18 =	sld [smem:$0x3FFB];
	_ =	sdelay $0x3  }
0x98: {  	_ =	strace s18  }
0x99: {  	s4 =	sld [smem:$0x3FFC];
	_ =	sdelay $0x3  }
0x9a: {  	_ =	strace s4  }
0x9b: {  	s4 =	sld [smem:$0x3FFD];
	_ =	sdelay $0x3  }
0x9c: {  	_ =	strace s4  }
0x9d: {  	_ =	strace $0x8FFFFFFF  }
0x9e: {  	s19 =	sld [smem:$0x3FDB];
	_ =	sdelay $0x1  }
0x9f: {  	s5 =	simm.s32 $_scs_section_size  }
0xa0: {  	s6 =	simm.s32 $_size__tile_overlayer_lowered;
	s7 =	simm.s32 $_tile_overlayer_lowered  }
0xa1: {  	s22 =	simm.s32 $0x1BFF;
	s21 =	sshll.u32 s7, $0x1;
	s4 =	sadd.s32 s5, s19  }
0xa2: {  	s8 =	simm.s32 $0x0;
	s20 =	sshll.u32 s6, $0x1;
	s6 =	sadd.s32 s21, s4  }
0xa3: {  	[timem:s8], [sflag:s22] =	dma.local [hbm:s6], s20  }
0xa4: {  	_ =	swait.ge [sflag:s22], s20  }
0xa5: {  	s5 =	ssub.s32 $0x0, s20;
	[sflag:s22] =	ssyncset.done $0x0  }
0xa6: {  	[sflag:s22] =	ssyncadd.s32 s5;
	_ =	sdelay $0x1  }
0xa7: {  	s23 =	simm.s32 $0x1B8B  }
0xa8: {  	_ =	swait.ge [sflag:s23], $0x1  }
0xa9: {  	[sflag:s23] =	ssyncset.done $0x0  }
0xaa: {  	s25 =	simm.s32 $0x1B8E;
	s24 =	sld [smem:$0x3FFE];
	[sflag:s23] =	ssyncadd.s32 $0xFFFFFFFF  }
0xab: {  	s26 =	simm.s32 $execute0_lowered;
	[smem:$0x3FD2] =	sst s25  }
0xac: {  	s6 =	sshll.u32 s26, $0x1;
	_ =	strace $0x80000046;
	[dreg:$0x1] =	wrdreg $0xFFFFFFFF  }
0xad: {  	s28 =	simm.s32 $_size_execute0_lowered;
	s4 =	sadd.s32 s4, s6;
	[dreg:$0x0] =	wrdreg $0x0  }
0xae: {  	s6 =	sshll.u32 s28, $0x1;
	[dreg:$0x2] =	wrdreg s4  }
0xaf: {  	[dreg:$0x3] =	wrdreg s6  }
0xb0: {  	[dreg:$0x4] =	wrdreg $0xC0  }
0xb1: {  	_ =	task [dreg:s8], $0x5FFFF  }
0xb2: {  	[dreg:$0x1] =	wrdreg $0xFFFFFFFF  }
0xb3: {  	[dreg:$0x0] =	wrdreg $0x60  }
0xb4: {  	[dreg:$0x2] =	wrdreg s17  }
0xb5: {  	[dreg:$0x3] =	wrdreg s16  }
0xb6: {  	[dreg:$0x4] =	wrdreg s24  }
0xb7: {  	[dreg:$0x5] =	wrdreg $0x108000  }
0xb8: {  	[dreg:$0x6] =	wrdreg $0x9  }
0xb9: {  	_ =	task.clear_ibuf [dreg:s8], $0x7FFFF;
	_ =	strace $0x90000046  }
0xba: {  	s29 =	simm.s32 $0x9;
	_ =	strace $0x80000048  }
0xbb: {  	_ =	swait.ge [sflag:s29], $0x1  }
0xbc: {  	[sflag:s29] =	ssyncadd.s32 $0xFFFFFFFF  }
0xbd: {  	_ =	strace $0x90000048  }
0xbe: {  	_ =	sfence  }
0xbf: {  	s30 =	sld [smem:$0x0];
	_ =	sdelay $0x2  }
0xc0: {  	s31 =	sshll.u32 s1, $0xD;
	s1 =	sshrl.u32 s1, $0x2  }
0xc1: {  	s3 =	sand.u32 $0x4000, s31;
	s1 =	sadd.s32 s1, s30  }
0xc2: {  	s0 =	sor.u32 s3, s0;
	s1 =	sshll.u32 s1, $0x11  }
0xc3: {  	s0 =	sor.u32 s1, s0  }
0xc4: {  	s0 =	sadd.s32 $0x8F2B, s0  }
0xc5: {  	[sflag:s0] =	ssyncadd.remote.s32 $0x1  }
0xc6: {  	_ =	sfence.sel $0xFFFF  }
0xc7: {  	[dreg:$0x0] =	wrdreg $0xFFFFFFFF;
	(pc) =	sbr.abs _section_cstart, $3  }
0xc8: {  	[dreg:$0x1] =	wrdreg $0xFFFFFFFF  }
0xc9: {  	_ =	task.clear_ibuf [dreg:s8], $0x2FFFF;
	_ =	strace $0x9FFFFFFF  }
0xca: {  	(tm) =	ssettm $0x7FFFFFFF  }
0xcb: {  	_ =	shalt  }
tec
execute0_lowered:
.L_overlay_start_1:
0x0: {  	(tag) =	ssettag $0x1  }
0x1: {  	s3 =	rddreg [dreg:$0x0]  }
0x2: {  	s0 =	rddreg [dreg:$0x1]  }
0x3: {  	s2 =	rddreg [dreg:$0x2]  }
0x4: {  	s6 =	rddreg [dreg:$0x3]  }
0x5: {  	s28 =	rddreg [dreg:$0x4]  }
0x6: {  	s1 =	simm.s32 $0x0;
	s4 =	srdreg.scid;
	s5 =	stileid.u32  }
0x7: {  	s31 =	simm.s32 $0x10480;
	s17 =	simm.s32 $0x100;
	s18 =	simm.s32 $0x180  }
0x8: {  	s10 =	simm.s32 $0x200;
	s11 =	simm.s32 $0x280;
	s12 =	simm.s32 $0x300  }
0x9: {  	s13 =	simm.s32 $0x380;
	s29 =	simm.s32 $0x10780;
	s14 =	simm.s32 $0x4400  }
0xa: {  	s15 =	simm.s32 $0x8400;
	s16 =	simm.s32 $0xC400;
	p1 =	por $0x0, $0x0  }
0xb: {  	[smem:$0x7FF] =	sst s1;
	s4 =	sand.u32 $0x1, s4;
	s7 =	sadd.s32 $0x1200, s2  }
0xc: {  	s8 =	sshll.u32 s5, $0xB;
	s19 =	sadd.s32 $0x1600, s2;
	p0 =	sne.s32 s5, $0x0  }
0xd: {  	s5 =	simm.s32 $0x2;
	_ =	strace $0x80000047;
	[dreg:$0x5] =	wrdreg s7  }
0xe: {  	s9 =	sshll.u32 s4, $0xA;
	[dreg:$0x6] =	wrdreg s19;
	s21 =	sshll.u32 s4, $0x4  }
0xf: {  	s4 =	ssub.s32 $0x2, s4;
	s19 =	simm.s32 $0x10400;
	[dreg:$0xb] =	wrdreg s31  }
0x10: {  	s8 =	sor.u32 s9, s8;
	s24 =	sshrl.u32 s4, $0x1;
	s9 =	simm.s32 $0x1  }
0x11: {  	s20 =	sshll.u32 s8, $0x4;
	s8 =	sshrl.u32 s8, $0x3;
	s26 =	ssub.s32 s4, s24  }
0x12: {  	s4 =	simm.s32 $0x3;
	s0 =	sadd.s32 s0, s8;
	s30 =	smax.u32 s26, $0x1  }
0x13: {  	s24 =	simm.s32 $0x10680;
	[dreg:$0x7] =	wrdreg s0;
	s0 =	sadd.s32 $0xFFFFFFFF, s30  }
0x14: {  	s7 =	sadd.s32 s20, s2;
	s2 =	sadd.s32 s21, s2;
	p2 =	sne.s32 s0, $0x0  }
.Ltmp0:
0x15: {  	s21 =	simm.s32 $0x10500;
	s22 =	sadd.s32 $0x1800, s7;
	(pc) =	sbr.rel @!p2 .LBB2_1-.Ltmp0, $4  }
0x16: {  	s8 =	simm.s32 $0x400;
	s23 =	sadd.s32 $0x3800, s7;
	[dreg:$0x8] =	wrdreg s22  }
0x17: {  	s25 =	sadd.s32 $0x81800, s2;
	s2 =	sshrl.u32 @!p0 s6, $0x3;
	[dreg:$0x9] =	wrdreg s23  }
0x18: {  	s7 =	simm.s32 $0x80;
	[dreg:$0xa] =	wrdreg s25;
	s22 =	simm.s32 $0x10580  }
0x19: {  	s23 =	simm.s32 $0x10600;
	s25 =	simm.s32 $0x10700;
	s20 =	rddreg [dreg:$0x7]  }
0x1a: {  	[tilespmem:s1], [sflag:$0x3] =	stream.linear.gather [hbm4b:s20+s1], $0x400, $0x38;
	[tilespmem:$0x10A00] =	vst v63  }
0x1b: {  	_ =	swait.ge [sflag:s4], $0x400  }
0x1c: {  	[sflag:s4] =	ssyncset.done $0x0  }
0x1d: {  	s26 =	rddreg [dreg:$0x6];
	[sflag:s4] =	ssyncadd.s32 $0xFFFFFC00  }
0x1e: {  	[tilespmem:s19], [sflag:$0x3] =	stream.linear.gather [hbm4b:s26+s1], $0x400, $0x38;
	[tilespmem:$0x10A00] =	vst v63  }
0x1f: {  	_ =	swait.ge [sflag:s4], $0x400  }
0x20: {  	s28 =	simm.s32 @!p0 $0x1C03;
	[sflag:s4] =	ssyncset.done $0x0  }
0x21: {  	s26 =	simm.s32 @!p0 $0x3;
	s20 =	rddreg [dreg:$0x5];
	[sflag:s4] =	ssyncadd.s32 $0xFFFFFC00  }
0x22: {  	[spmem:s2], [sflag:s28] =	dma.local @!p0 [hbm:s20], $0x400  }
0x23: {  	_ =	swait.ge @!p0 [sflag:s26], $0x400  }
0x24: {  	[sflag:s26] =	ssyncset.done @!p0 $0x0  }
0x25: {  	[sflag:s26] =	ssyncadd.s32 @!p0 $0xFFFFFC00  }
0x26: {  	[bflag:$0x0] =	sbarrier.arrive $0xFFFF  }
0x27: {  	[spmem:s6] =	stream.indirect.scatter.add.f32 [tilespmem:s19], [sflag:$0x2], $0x1, s1, s7, $0xb8;
	[tilespmem:$0x10A00] =	vst v63  }
0x28: {  	s20 =	rddreg [dreg:$0xb]  }
0x29: {  	[spmem:s6] =	stream.indirect.scatter.add.f32 [tilespmem:s20], [sflag:$0x2], $0x1, s7, s7, $0xb8;
	[tilespmem:$0x10A00] =	vst v63  }
0x2a: {  	_ = 	snop  }
0x2b: {  	[spmem:s6] =	stream.indirect.scatter.add.f32 [tilespmem:s21], [sflag:$0x2], $0x1, s17, s7, $0xb8;
	[tilespmem:$0x10A00] =	vst v63  }
0x2c: {  	_ = 	snop  }
0x2d: {  	[spmem:s6] =	stream.indirect.scatter.add.f32 [tilespmem:s22], [sflag:$0x2], $0x1, s18, s7, $0xb8;
	[tilespmem:$0x10A00] =	vst v63  }
0x2e: {  	_ = 	snop  }
0x2f: {  	[spmem:s6] =	stream.indirect.scatter.add.f32 [tilespmem:s23], [sflag:$0x2], $0x1, s10, s7, $0xb8;
	[tilespmem:$0x10A00] =	vst v63  }
0x30: {  	_ = 	snop  }
0x31: {  	[spmem:s6] =	stream.indirect.scatter.add.f32 [tilespmem:s24], [sflag:$0x2], $0x1, s11, s7, $0xb8;
	[tilespmem:$0x10A00] =	vst v63  }
0x32: {  	_ = 	snop  }
0x33: {  	[spmem:s6] =	stream.indirect.scatter.add.f32 [tilespmem:s25], [sflag:$0x2], $0x1, s12, s7, $0xb8;
	[tilespmem:$0x10A00] =	vst v63  }
0x34: {  	_ = 	snop  }
0x35: {  	[spmem:s6] =	stream.indirect.scatter.add.f32 [tilespmem:s29], [sflag:$0x2], $0x1, s13, s7, $0xb8;
	[tilespmem:$0x10A00] =	vst v63  }
0x36: {  	_ = 	snop  }
0x37: {  	[tilespmem:s8], [sflag:$0x1] =	stream.indirect.gather [hbm4b:s3+s7], $0x80, s1, s7, $0xb8;
	[tilespmem:$0x10A00] =	vst v63  }
0x38: {  	_ = 	snop  }
0x39: {  	[tilespmem:s14], [sflag:$0x1] =	stream.indirect.gather [hbm4b:s3+s7], $0x80, s7, s7, $0xb8;
	[tilespmem:$0x10A00] =	vst v63  }
0x3a: {  	_ = 	snop  }
0x3b: {  	[tilespmem:s15], [sflag:$0x1] =	stream.indirect.gather [hbm4b:s3+s7], $0x80, s17, s7, $0xb8;
	[tilespmem:$0x10A00] =	vst v63  }
0x3c: {  	_ = 	snop  }
0x3d: {  	[tilespmem:s16], [sflag:$0x1] =	stream.indirect.gather [hbm4b:s3+s7], $0x80, s18, s7, $0xb8;
	[tilespmem:$0x10A00] =	vst v63  }
0x3e: {  	_ =	swait.ge [sflag:s9], $0x4000  }
0x3f: {  	[sflag:s9] =	ssyncset.done $0x0  }
0x40: {  	[sflag:s9] =	ssyncadd.s32 $0xFFFFC000  }
0x41: {  	_ =	swait.ge [sflag:s9], $0x4000  }
0x42: {  	[sflag:s9] =	ssyncset.done $0x0  }
0x43: {  	[sflag:s9] =	ssyncadd.s32 $0xFFFFC000  }
0x44: {  	_ =	swait.ge [sflag:s9], $0x4000  }
0x45: {  	[sflag:s9] =	ssyncset.done $0x0  }
0x46: {  	[sflag:s9] =	ssyncadd.s32 $0xFFFFC000  }
0x47: {  	_ =	swait.ge [sflag:s9], $0x4000  }
0x48: {  	[sflag:s9] =	ssyncset.done $0x0  }
0x49: {  	s24 =	rddreg [dreg:$0x8];
	[sflag:s9] =	ssyncadd.s32 $0xFFFFC000  }
0x4a: {  	[hbm4b:s24+s1] =	stream.linear.scatter [tilespmem:s8], [sflag:$0x3], $0x10000, $0x38;
	[tilespmem:$0x10A00] =	vst v63  }
0x4b: {  	_ =	swait.ge [sflag:s4], $0x10000  }
0x4c: {  	[sflag:s4] =	ssyncset.done $0x0  }
0x4d: {  	[sflag:s4] =	ssyncadd.s32 $0xFFFF0000  }
0x4e: {  	[tilespmem:s8], [sflag:$0x1] =	stream.indirect.gather [hbm4b:s3+s7], $0x80, s10, s7, $0xb8;
	[tilespmem:$0x10A00] =	vst v63  }
0x4f: {  	_ = 	snop  }
0x50: {  	[tilespmem:s14], [sflag:$0x1] =	stream.indirect.gather [hbm4b:s3+s7], $0x80, s11, s7, $0xb8;
	[tilespmem:$0x10A00] =	vst v63  }
0x51: {  	_ = 	snop  }
0x52: {  	[tilespmem:s15], [sflag:$0x1] =	stream.indirect.gather [hbm4b:s3+s7], $0x80, s12, s7, $0xb8;
	[tilespmem:$0x10A00] =	vst v63  }
0x53: {  	_ = 	snop  }
0x54: {  	[tilespmem:s16], [sflag:$0x1] =	stream.indirect.gather [hbm4b:s3+s7], $0x80, s13, s7, $0xb8;
	[tilespmem:$0x10A00] =	vst v63  }
0x55: {  	_ =	swait.ge [sflag:s9], $0x4000  }
0x56: {  	[sflag:s9] =	ssyncset.done $0x0  }
0x57: {  	[sflag:s9] =	ssyncadd.s32 $0xFFFFC000  }
0x58: {  	_ =	swait.ge [sflag:s9], $0x4000  }
0x59: {  	[sflag:s9] =	ssyncset.done $0x0  }
0x5a: {  	[sflag:s9] =	ssyncadd.s32 $0xFFFFC000  }
0x5b: {  	_ =	swait.ge [sflag:s9], $0x4000  }
0x5c: {  	[sflag:s9] =	ssyncset.done $0x0  }
0x5d: {  	[sflag:s9] =	ssyncadd.s32 $0xFFFFC000  }
0x5e: {  	_ =	swait.ge [sflag:s9], $0x4000  }
0x5f: {  	[sflag:s9] =	ssyncset.done $0x0  }
0x60: {  	s25 =	rddreg [dreg:$0x9];
	[sflag:s9] =	ssyncadd.s32 $0xFFFFC000  }
0x61: {  	[hbm4b:s25+s1] =	stream.linear.scatter [tilespmem:s8], [sflag:$0x3], $0x10000, $0x38;
	[tilespmem:$0x10A00] =	vst v63  }
0x62: {  	_ =	swait.ge [sflag:s4], $0x10000  }
0x63: {  	[sflag:s4] =	ssyncset.done $0x0  }
0x64: {  	[sflag:s4] =	ssyncadd.s32 $0xFFFF0000  }
0x65: {  	_ =	swait.ge [sflag:s5], $0x80  }
0x66: {  	[sflag:s5] =	ssyncset.done $0x0  }
0x67: {  	[sflag:s5] =	ssyncadd.s32 $0xFFFFFF80  }
0x68: {  	_ =	swait.ge [sflag:s5], $0x80  }
0x69: {  	[sflag:s5] =	ssyncset.done $0x0  }
0x6a: {  	[sflag:s5] =	ssyncadd.s32 $0xFFFFFF80  }
0x6b: {  	_ =	swait.ge [sflag:s5], $0x80  }
0x6c: {  	[sflag:s5] =	ssyncset.done $0x0  }
0x6d: {  	[sflag:s5] =	ssyncadd.s32 $0xFFFFFF80  }
0x6e: {  	_ =	swait.ge [sflag:s5], $0x80  }
0x6f: {  	[sflag:s5] =	ssyncset.done $0x0  }
0x70: {  	[sflag:s5] =	ssyncadd.s32 $0xFFFFFF80  }
0x71: {  	_ =	swait.ge [sflag:s5], $0x80  }
0x72: {  	[sflag:s5] =	ssyncset.done $0x0  }
0x73: {  	[sflag:s5] =	ssyncadd.s32 $0xFFFFFF80  }
0x74: {  	_ =	swait.ge [sflag:s5], $0x80  }
0x75: {  	[sflag:s5] =	ssyncset.done $0x0  }
0x76: {  	[sflag:s5] =	ssyncadd.s32 $0xFFFFFF80  }
0x77: {  	_ =	swait.ge [sflag:s5], $0x80  }
0x78: {  	[sflag:s5] =	ssyncset.done $0x0  }
0x79: {  	[sflag:s5] =	ssyncadd.s32 $0xFFFFFF80  }
0x7a: {  	s30 =	simm.s32 @!p0 $0x1;
	_ =	swait.ge [sflag:s5], $0x80  }
0x7b: {  	s31 =	simm.s32 @!p0 $0x20;
	s29 =	sadd.s32 $0xFFFFFFFF, s0;
	[sflag:s5] =	ssyncset.done $0x0  }
0x7c: {  	p1 =	por $0x1, $0x1;
	p2 =	sne.s32 s29, $0x0;
	[sflag:s5] =	ssyncadd.s32 $0xFFFFFF80  }
.Ltmp1:
0x7d: {  	s21 =	simm.s32 $0x10780;
	[bflag:$0x0] =	sbarrier.arrive $0xFFFF;
	(pc) =	sbr.rel @!p2 .LBB2_3-.Ltmp1, $4  }
0x7e: {  	s22 =	simm.s32 $0x10580;
	s0 =	simm.s32 @!p0 $0x10;
	s20 =	rddreg [dreg:$0xa]  }
0x7f: {  	[hbm:s20@s31], [sflag:s28] =	dma.strided @!p0 [spmem:s2@s0], $0x400, s30, $0x10   }
0x80: {  	s23 =	simm.s32 $0x10600;
	s24 =	simm.s32 $0x10680;
	_ =	swait.ge @!p0 [sflag:s26], $0x400  }
0x81: {  	s25 =	simm.s32 $0x10700;
	s20 =	rddreg [dreg:$0x7];
	[sflag:s26] =	ssyncset.done @!p0 $0x0  }
.LBB2_4:
0x82: {  	[sflag:s26] =	ssyncadd.s32 @!p0 $0xFFFFFC00  }
0x83: {  	[tilespmem:s1], [sflag:$0x3] =	stream.linear.gather [hbm4b:s20+s1], $0x400, $0x38;
	[tilespmem:$0x10A00] =	vst v63  }
0x84: {  	_ =	swait.ge [sflag:s4], $0x400  }
0x85: {  	[sflag:s4] =	ssyncset.done $0x0  }
0x86: {  	s20 =	rddreg [dreg:$0x6];
	[sflag:s4] =	ssyncadd.s32 $0xFFFFFC00  }
0x87: {  	[tilespmem:s19], [sflag:$0x3] =	stream.linear.gather [hbm4b:s20+s1], $0x400, $0x38;
	[tilespmem:$0x10A00] =	vst v63  }
0x88: {  	_ =	swait.ge [sflag:s4], $0x400  }
0x89: {  	[sflag:s4] =	ssyncset.done $0x0  }
0x8a: {  	s20 =	rddreg [dreg:$0x5];
	[sflag:s4] =	ssyncadd.s32 $0xFFFFFC00  }
0x8b: {  	[spmem:s2], [sflag:s28] =	dma.local @!p0 [hbm:s20], $0x400  }
0x8c: {  	_ =	swait.ge @!p0 [sflag:s26], $0x400  }
0x8d: {  	[sflag:s26] =	ssyncset.done @!p0 $0x0  }
0x8e: {  	[sflag:s26] =	ssyncadd.s32 @!p0 $0xFFFFFC00  }
0x8f: {  	[bflag:$0x0] =	sbarrier.arrive $0xFFFF  }
0x90: {  	[spmem:s6] =	stream.indirect.scatter.add.f32 [tilespmem:s19], [sflag:$0x2], $0x1, s1, s7, $0xb8;
	[tilespmem:$0x10A00] =	vst v63  }
0x91: {  	s20 =	rddreg [dreg:$0xb]  }
0x92: {  	[spmem:s6] =	stream.indirect.scatter.add.f32 [tilespmem:s20], [sflag:$0x2], $0x1, s7, s7, $0xb8;
	[tilespmem:$0x10A00] =	vst v63  }
0x93: {  	s20 =	simm.s32 $0x10500  }
0x94: {  	[spmem:s6] =	stream.indirect.scatter.add.f32 [tilespmem:s20], [sflag:$0x2], $0x1, s17, s7, $0xb8;
	[tilespmem:$0x10A00] =	vst v63  }
0x95: {  	_ = 	snop  }
0x96: {  	[spmem:s6] =	stream.indirect.scatter.add.f32 [tilespmem:s22], [sflag:$0x2], $0x1, s18, s7, $0xb8;
	[tilespmem:$0x10A00] =	vst v63  }
0x97: {  	_ = 	snop  }
0x98: {  	[spmem:s6] =	stream.indirect.scatter.add.f32 [tilespmem:s23], [sflag:$0x2], $0x1, s10, s7, $0xb8;
	[tilespmem:$0x10A00] =	vst v63  }
0x99: {  	_ = 	snop  }
0x9a: {  	[spmem:s6] =	stream.indirect.scatter.add.f32 [tilespmem:s24], [sflag:$0x2], $0x1, s11, s7, $0xb8;
	[tilespmem:$0x10A00] =	vst v63  }
0x9b: {  	_ = 	snop  }
0x9c: {  	[spmem:s6] =	stream.indirect.scatter.add.f32 [tilespmem:s25], [sflag:$0x2], $0x1, s12, s7, $0xb8;
	[tilespmem:$0x10A00] =	vst v63  }
0x9d: {  	_ = 	snop  }
0x9e: {  	[spmem:s6] =	stream.indirect.scatter.add.f32 [tilespmem:s21], [sflag:$0x2], $0x1, s13, s7, $0xb8;
	[tilespmem:$0x10A00] =	vst v63  }
0x9f: {  	_ = 	snop  }
0xa0: {  	[tilespmem:s8], [sflag:$0x1] =	stream.indirect.gather [hbm4b:s3+s7], $0x80, s1, s7, $0xb8;
	[tilespmem:$0x10A00] =	vst v63  }
0xa1: {  	_ = 	snop  }
0xa2: {  	[tilespmem:s14], [sflag:$0x1] =	stream.indirect.gather [hbm4b:s3+s7], $0x80, s7, s7, $0xb8;
	[tilespmem:$0x10A00] =	vst v63  }
0xa3: {  	_ = 	snop  }
0xa4: {  	[tilespmem:s15], [sflag:$0x1] =	stream.indirect.gather [hbm4b:s3+s7], $0x80, s17, s7, $0xb8;
	[tilespmem:$0x10A00] =	vst v63  }
0xa5: {  	_ = 	snop  }
0xa6: {  	[tilespmem:s16], [sflag:$0x1] =	stream.indirect.gather [hbm4b:s3+s7], $0x80, s18, s7, $0xb8;
	[tilespmem:$0x10A00] =	vst v63  }
0xa7: {  	_ =	swait.ge [sflag:s9], $0x4000  }
0xa8: {  	[sflag:s9] =	ssyncset.done $0x0  }
0xa9: {  	[sflag:s9] =	ssyncadd.s32 $0xFFFFC000  }
0xaa: {  	_ =	swait.ge [sflag:s9], $0x4000  }
0xab: {  	[sflag:s9] =	ssyncset.done $0x0  }
0xac: {  	[sflag:s9] =	ssyncadd.s32 $0xFFFFC000  }
0xad: {  	_ =	swait.ge [sflag:s9], $0x4000  }
0xae: {  	[sflag:s9] =	ssyncset.done $0x0  }
0xaf: {  	[sflag:s9] =	ssyncadd.s32 $0xFFFFC000  }
0xb0: {  	_ =	swait.ge [sflag:s9], $0x4000  }
0xb1: {  	[sflag:s9] =	ssyncset.done $0x0  }
0xb2: {  	s20 =	rddreg [dreg:$0x8];
	[sflag:s9] =	ssyncadd.s32 $0xFFFFC000  }
0xb3: {  	[hbm4b:s20+s1] =	stream.linear.scatter [tilespmem:s8], [sflag:$0x3], $0x10000, $0x38;
	[tilespmem:$0x10A00] =	vst v63  }
0xb4: {  	_ =	swait.ge [sflag:s4], $0x10000  }
0xb5: {  	[sflag:s4] =	ssyncset.done $0x0  }
0xb6: {  	[sflag:s4] =	ssyncadd.s32 $0xFFFF0000  }
0xb7: {  	[tilespmem:s8], [sflag:$0x1] =	stream.indirect.gather [hbm4b:s3+s7], $0x80, s10, s7, $0xb8;
	[tilespmem:$0x10A00] =	vst v63  }
0xb8: {  	_ = 	snop  }
0xb9: {  	[tilespmem:s14], [sflag:$0x1] =	stream.indirect.gather [hbm4b:s3+s7], $0x80, s11, s7, $0xb8;
	[tilespmem:$0x10A00] =	vst v63  }
0xba: {  	_ = 	snop  }
0xbb: {  	[tilespmem:s15], [sflag:$0x1] =	stream.indirect.gather [hbm4b:s3+s7], $0x80, s12, s7, $0xb8;
	[tilespmem:$0x10A00] =	vst v63  }
0xbc: {  	_ = 	snop  }
0xbd: {  	[tilespmem:s16], [sflag:$0x1] =	stream.indirect.gather [hbm4b:s3+s7], $0x80, s13, s7, $0xb8;
	[tilespmem:$0x10A00] =	vst v63  }
0xbe: {  	_ =	swait.ge [sflag:s9], $0x4000  }
0xbf: {  	[sflag:s9] =	ssyncset.done $0x0  }
0xc0: {  	[sflag:s9] =	ssyncadd.s32 $0xFFFFC000  }
0xc1: {  	_ =	swait.ge [sflag:s9], $0x4000  }
0xc2: {  	[sflag:s9] =	ssyncset.done $0x0  }
0xc3: {  	[sflag:s9] =	ssyncadd.s32 $0xFFFFC000  }
0xc4: {  	_ =	swait.ge [sflag:s9], $0x4000  }
0xc5: {  	[sflag:s9] =	ssyncset.done $0x0  }
0xc6: {  	[sflag:s9] =	ssyncadd.s32 $0xFFFFC000  }
0xc7: {  	_ =	swait.ge [sflag:s9], $0x4000  }
0xc8: {  	[sflag:s9] =	ssyncset.done $0x0  }
0xc9: {  	s20 =	rddreg [dreg:$0x9];
	[sflag:s9] =	ssyncadd.s32 $0xFFFFC000  }
0xca: {  	[hbm4b:s20+s1] =	stream.linear.scatter [tilespmem:s8], [sflag:$0x3], $0x10000, $0x38;
	[tilespmem:$0x10A00] =	vst v63  }
0xcb: {  	_ =	swait.ge [sflag:s4], $0x10000  }
0xcc: {  	[sflag:s4] =	ssyncset.done $0x0  }
0xcd: {  	[sflag:s4] =	ssyncadd.s32 $0xFFFF0000  }
0xce: {  	_ =	swait.ge [sflag:s5], $0x80  }
0xcf: {  	[sflag:s5] =	ssyncset.done $0x0  }
0xd0: {  	[sflag:s5] =	ssyncadd.s32 $0xFFFFFF80  }
0xd1: {  	_ =	swait.ge [sflag:s5], $0x80  }
0xd2: {  	[sflag:s5] =	ssyncset.done $0x0  }
0xd3: {  	[sflag:s5] =	ssyncadd.s32 $0xFFFFFF80  }
0xd4: {  	_ =	swait.ge [sflag:s5], $0x80  }
0xd5: {  	[sflag:s5] =	ssyncset.done $0x0  }
0xd6: {  	[sflag:s5] =	ssyncadd.s32 $0xFFFFFF80  }
0xd7: {  	_ =	swait.ge [sflag:s5], $0x80  }
0xd8: {  	[sflag:s5] =	ssyncset.done $0x0  }
0xd9: {  	[sflag:s5] =	ssyncadd.s32 $0xFFFFFF80  }
0xda: {  	_ =	swait.ge [sflag:s5], $0x80  }
0xdb: {  	[sflag:s5] =	ssyncset.done $0x0  }
0xdc: {  	[sflag:s5] =	ssyncadd.s32 $0xFFFFFF80  }
0xdd: {  	_ =	swait.ge [sflag:s5], $0x80  }
0xde: {  	[sflag:s5] =	ssyncset.done $0x0  }
0xdf: {  	[sflag:s5] =	ssyncadd.s32 $0xFFFFFF80  }
0xe0: {  	_ =	swait.ge [sflag:s5], $0x80  }
0xe1: {  	[sflag:s5] =	ssyncset.done $0x0  }
0xe2: {  	[sflag:s5] =	ssyncadd.s32 $0xFFFFFF80  }
0xe3: {  	_ =	swait.ge [sflag:s5], $0x80  }
0xe4: {  	s29 =	sadd.s32 $0xFFFFFFFF, s29;
	[sflag:s5] =	ssyncset.done $0x0  }
0xe5: {  	p2 =	sne.s32 s29, $0x0;
	[sflag:s5] =	ssyncadd.s32 $0xFFFFFF80  }
.Ltmp2:
0xe6: {  	[bflag:$0x0] =	sbarrier.arrive $0xFFFF;
	(pc) =	sbr.rel @p2 .LBB2_4-.Ltmp2, $4  }
0xe7: {  	s20 =	rddreg [dreg:$0xa]  }
0xe8: {  	[hbm:s20@s31], [sflag:s28] =	dma.strided @!p0 [spmem:s2@s0], $0x400, s30, $0x10   }
0xe9: {  	_ =	swait.ge @!p0 [sflag:s26], $0x400  }
0xea: {  	s20 =	rddreg [dreg:$0x7];
	[sflag:s26] =	ssyncset.done @!p0 $0x0  }
0xeb: {  	s28 =	rddreg [dreg:$0x4]  }
0xec: {  	s21 =	simm.s32 $0x10500;
	s22 =	simm.s32 $0x10580;
	s23 =	simm.s32 $0x10600  }
0xed: {  	s24 =	simm.s32 $0x10680;
	s25 =	simm.s32 $0x10700;
	s29 =	simm.s32 $0x10780  }
.LBB2_6:
0xee: {  	p1 =	por p0, !p1  }
0xef: {  	[sflag:s26] =	ssyncadd.s32 @!p1 $0xFFFFFC00  }
0xf0: {  	[tilespmem:s1], [sflag:$0x3] =	stream.linear.gather [hbm4b:s20+s1], $0x400, $0x38;
	[tilespmem:$0x10A00] =	vst v63  }
0xf1: {  	_ =	swait.ge [sflag:s4], $0x400  }
0xf2: {  	[sflag:s4] =	ssyncset.done $0x0  }
0xf3: {  	s0 =	rddreg [dreg:$0x6];
	[sflag:s4] =	ssyncadd.s32 $0xFFFFFC00  }
0xf4: {  	[tilespmem:s19], [sflag:$0x3] =	stream.linear.gather [hbm4b:s0+s1], $0x400, $0x38;
	[tilespmem:$0x10A00] =	vst v63  }
0xf5: {  	_ =	swait.ge [sflag:s4], $0x400  }
0xf6: {  	[sflag:s4] =	ssyncset.done $0x0  }
0xf7: {  	s26 =	simm.s32 @!p0 $0x1C03;
	s0 =	rddreg [dreg:$0x5];
	[sflag:s4] =	ssyncadd.s32 $0xFFFFFC00  }
0xf8: {  	[spmem:s2], [sflag:s26] =	dma.local @!p0 [hbm:s0], $0x400  }
0xf9: {  	s0 =	simm.s32 @!p0 $0x3  }
0xfa: {  	_ =	swait.ge @!p0 [sflag:s0], $0x400  }
0xfb: {  	[sflag:s0] =	ssyncset.done @!p0 $0x0  }
0xfc: {  	[sflag:s0] =	ssyncadd.s32 @!p0 $0xFFFFFC00  }
0xfd: {  	[bflag:$0x0] =	sbarrier.arrive $0xFFFF  }
0xfe: {  	[spmem:s6] =	stream.indirect.scatter.add.f32 [tilespmem:s19], [sflag:$0x2], $0x1, s1, s7, $0xb8;
	[tilespmem:$0x10A00] =	vst v63  }
0xff: {  	s31 =	rddreg [dreg:$0xb]  }
0x100: {  	[spmem:s6] =	stream.indirect.scatter.add.f32 [tilespmem:s31], [sflag:$0x2], $0x1, s7, s7, $0xb8;
	[tilespmem:$0x10A00] =	vst v63  }
0x101: {  	_ = 	snop  }
0x102: {  	[spmem:s6] =	stream.indirect.scatter.add.f32 [tilespmem:s21], [sflag:$0x2], $0x1, s17, s7, $0xb8;
	[tilespmem:$0x10A00] =	vst v63  }
0x103: {  	_ = 	snop  }
0x104: {  	[spmem:s6] =	stream.indirect.scatter.add.f32 [tilespmem:s22], [sflag:$0x2], $0x1, s18, s7, $0xb8;
	[tilespmem:$0x10A00] =	vst v63  }
0x105: {  	_ = 	snop  }
0x106: {  	[spmem:s6] =	stream.indirect.scatter.add.f32 [tilespmem:s23], [sflag:$0x2], $0x1, s10, s7, $0xb8;
	[tilespmem:$0x10A00] =	vst v63  }
0x107: {  	_ = 	snop  }
0x108: {  	[spmem:s6] =	stream.indirect.scatter.add.f32 [tilespmem:s24], [sflag:$0x2], $0x1, s11, s7, $0xb8;
	[tilespmem:$0x10A00] =	vst v63  }
0x109: {  	_ = 	snop  }
0x10a: {  	[spmem:s6] =	stream.indirect.scatter.add.f32 [tilespmem:s25], [sflag:$0x2], $0x1, s12, s7, $0xb8;
	[tilespmem:$0x10A00] =	vst v63  }
0x10b: {  	_ = 	snop  }
0x10c: {  	[spmem:s6] =	stream.indirect.scatter.add.f32 [tilespmem:s29], [sflag:$0x2], $0x1, s13, s7, $0xb8;
	[tilespmem:$0x10A00] =	vst v63  }
0x10d: {  	_ = 	snop  }
0x10e: {  	[tilespmem:s8], [sflag:$0x1] =	stream.indirect.gather [hbm4b:s3+s7], $0x80, s1, s7, $0xb8;
	[tilespmem:$0x10A00] =	vst v63  }
0x10f: {  	_ = 	snop  }
0x110: {  	[tilespmem:s14], [sflag:$0x1] =	stream.indirect.gather [hbm4b:s3+s7], $0x80, s7, s7, $0xb8;
	[tilespmem:$0x10A00] =	vst v63  }
0x111: {  	_ = 	snop  }
0x112: {  	[tilespmem:s15], [sflag:$0x1] =	stream.indirect.gather [hbm4b:s3+s7], $0x80, s17, s7, $0xb8;
	[tilespmem:$0x10A00] =	vst v63  }
0x113: {  	_ = 	snop  }
0x114: {  	[tilespmem:s16], [sflag:$0x1] =	stream.indirect.gather [hbm4b:s3+s7], $0x80, s18, s7, $0xb8;
	[tilespmem:$0x10A00] =	vst v63  }
0x115: {  	_ =	swait.ge [sflag:s9], $0x4000  }
0x116: {  	[sflag:s9] =	ssyncset.done $0x0  }
0x117: {  	[sflag:s9] =	ssyncadd.s32 $0xFFFFC000  }
0x118: {  	_ =	swait.ge [sflag:s9], $0x4000  }
0x119: {  	[sflag:s9] =	ssyncset.done $0x0  }
0x11a: {  	[sflag:s9] =	ssyncadd.s32 $0xFFFFC000  }
0x11b: {  	_ =	swait.ge [sflag:s9], $0x4000  }
0x11c: {  	[sflag:s9] =	ssyncset.done $0x0  }
0x11d: {  	[sflag:s9] =	ssyncadd.s32 $0xFFFFC000  }
0x11e: {  	_ =	swait.ge [sflag:s9], $0x4000  }
0x11f: {  	[sflag:s9] =	ssyncset.done $0x0  }
0x120: {  	s30 =	rddreg [dreg:$0x8];
	[sflag:s9] =	ssyncadd.s32 $0xFFFFC000  }
0x121: {  	[hbm4b:s30+s1] =	stream.linear.scatter [tilespmem:s8], [sflag:$0x3], $0x10000, $0x38;
	[tilespmem:$0x10A00] =	vst v63  }
0x122: {  	_ =	swait.ge [sflag:s4], $0x10000  }
0x123: {  	[sflag:s4] =	ssyncset.done $0x0  }
0x124: {  	[sflag:s4] =	ssyncadd.s32 $0xFFFF0000  }
0x125: {  	[tilespmem:s8], [sflag:$0x1] =	stream.indirect.gather [hbm4b:s3+s7], $0x80, s10, s7, $0xb8;
	[tilespmem:$0x10A00] =	vst v63  }
0x126: {  	_ = 	snop  }
0x127: {  	[tilespmem:s14], [sflag:$0x1] =	stream.indirect.gather [hbm4b:s3+s7], $0x80, s11, s7, $0xb8;
	[tilespmem:$0x10A00] =	vst v63  }
0x128: {  	_ = 	snop  }
0x129: {  	[tilespmem:s15], [sflag:$0x1] =	stream.indirect.gather [hbm4b:s3+s7], $0x80, s12, s7, $0xb8;
	[tilespmem:$0x10A00] =	vst v63  }
0x12a: {  	_ = 	snop  }
0x12b: {  	[tilespmem:s16], [sflag:$0x1] =	stream.indirect.gather [hbm4b:s3+s7], $0x80, s13, s7, $0xb8;
	[tilespmem:$0x10A00] =	vst v63  }
0x12c: {  	_ =	swait.ge [sflag:s9], $0x4000  }
0x12d: {  	[sflag:s9] =	ssyncset.done $0x0  }
0x12e: {  	[sflag:s9] =	ssyncadd.s32 $0xFFFFC000  }
0x12f: {  	_ =	swait.ge [sflag:s9], $0x4000  }
0x130: {  	[sflag:s9] =	ssyncset.done $0x0  }
0x131: {  	[sflag:s9] =	ssyncadd.s32 $0xFFFFC000  }
0x132: {  	_ =	swait.ge [sflag:s9], $0x4000  }
0x133: {  	[sflag:s9] =	ssyncset.done $0x0  }
0x134: {  	[sflag:s9] =	ssyncadd.s32 $0xFFFFC000  }
0x135: {  	_ =	swait.ge [sflag:s9], $0x4000  }
0x136: {  	[sflag:s9] =	ssyncset.done $0x0  }
0x137: {  	s31 =	rddreg [dreg:$0x9];
	[sflag:s9] =	ssyncadd.s32 $0xFFFFC000  }
0x138: {  	[hbm4b:s31+s1] =	stream.linear.scatter [tilespmem:s8], [sflag:$0x3], $0x10000, $0x38;
	[tilespmem:$0x10A00] =	vst v63  }
0x139: {  	_ =	swait.ge [sflag:s4], $0x10000  }
0x13a: {  	[sflag:s4] =	ssyncset.done $0x0  }
0x13b: {  	[sflag:s4] =	ssyncadd.s32 $0xFFFF0000  }
0x13c: {  	_ =	swait.ge [sflag:s5], $0x80  }
0x13d: {  	[sflag:s5] =	ssyncset.done $0x0  }
0x13e: {  	[sflag:s5] =	ssyncadd.s32 $0xFFFFFF80  }
0x13f: {  	_ =	swait.ge [sflag:s5], $0x80  }
0x140: {  	[sflag:s5] =	ssyncset.done $0x0  }
0x141: {  	[sflag:s5] =	ssyncadd.s32 $0xFFFFFF80  }
0x142: {  	_ =	swait.ge [sflag:s5], $0x80  }
0x143: {  	[sflag:s5] =	ssyncset.done $0x0  }
0x144: {  	[sflag:s5] =	ssyncadd.s32 $0xFFFFFF80  }
0x145: {  	_ =	swait.ge [sflag:s5], $0x80  }
0x146: {  	[sflag:s5] =	ssyncset.done $0x0  }
0x147: {  	[sflag:s5] =	ssyncadd.s32 $0xFFFFFF80  }
0x148: {  	_ =	swait.ge [sflag:s5], $0x80  }
0x149: {  	[sflag:s5] =	ssyncset.done $0x0  }
0x14a: {  	[sflag:s5] =	ssyncadd.s32 $0xFFFFFF80  }
0x14b: {  	_ =	swait.ge [sflag:s5], $0x80  }
0x14c: {  	[sflag:s5] =	ssyncset.done $0x0  }
0x14d: {  	[sflag:s5] =	ssyncadd.s32 $0xFFFFFF80  }
0x14e: {  	_ =	swait.ge [sflag:s5], $0x80  }
0x14f: {  	[sflag:s5] =	ssyncset.done $0x0  }
0x150: {  	[sflag:s5] =	ssyncadd.s32 $0xFFFFFF80  }
0x151: {  	_ =	swait.ge [sflag:s5], $0x80  }
0x152: {  	[sflag:s5] =	ssyncset.done $0x0  }
0x153: {  	[sflag:s5] =	ssyncadd.s32 $0xFFFFFF80  }
0x154: {  	s3 =	simm.s32 @!p0 $0x1;
	[bflag:$0x0] =	sbarrier.arrive $0xFFFF  }
0x155: {  	s4 =	simm.s32 @!p0 $0x20;
	s5 =	simm.s32 @!p0 $0x10;
	s1 =	rddreg [dreg:$0xa]  }
0x156: {  	[hbm:s1@s4], [sflag:s26] =	dma.strided @!p0 [spmem:s2@s5], $0x400, s3, $0x10   }
0x157: {  	_ =	swait.ge @!p0 [sflag:s0], $0x400  }
0x158: {  	[sflag:s0] =	ssyncset.done @!p0 $0x0  }
0x159: {  	[sflag:s0] =	ssyncadd.s32 @!p0 $0xFFFFFC00  }
0x15a: {  	_ =	sfence.sel $0x180000  }
0x15b: {  	[bflag:$0x0] =	sbarrier.arrive $0xFFFF  }
0x15c: {  	_ =	strace $0x90000047  }
0x15d: {  	s0 =	sadd.s32 @!p0 $0x100000, s28;
	[bflag:$0x2] =	sbarrier.arrive $0xFFFF  }
0x15e: {  	[sflag:s0] =	ssyncadd.tile.s32 @!p0 $0x1;
	_ =	shalt  }
.LBB2_1:
.Ltmp3:
0x15f: {  	(pc) =	sbr.rel .LBB2_6-.Ltmp3, $2  }
0x160: {  	_ =	sdelay $0x2  }
0x161: {  	_ = 	snop  }
.LBB2_3:
.Ltmp4:
0x162: {  	(pc) =	sbr.rel .LBB2_6-.Ltmp4, $4  }
0x163: {  	_ = 	snop  }
0x164: {  	s28 =	rddreg [dreg:$0x4]  }
0x165: {  	s21 =	simm.s32 $0x10500;
	s22 =	simm.s32 $0x10580;
	s23 =	simm.s32 $0x10600  }
0x166: {  	s24 =	simm.s32 $0x10680;
	s25 =	simm.s32 $0x10700;
	s29 =	simm.s32 $0x10780  }
.Lfunc_end2:
_tile_overlayer_lowered:
.L_overlay_start_2:
0x167: {  	(tag) =	ssettag $0x2  }
0x168: {  	s0 =	rddreg [dreg:$0x0];
	s2 =	stileid.u32  }
0x169: {  	s1 =	rddreg [dreg:$0x1];
	p0 =	sne.s32 s2, $0x0  }
0x16a: {  	s3 =	rddreg [dreg:$0x2];
	[bflag:$0x3] =	sbarrier.arrive $0xFFFF;
	s2 =	simm.s32 @!p0 $0x1C03  }
0x16b: {  	[timem:s3], [sflag:s2] =	dma.local @!p0 [hbm:s0], s1  }
0x16c: {  	s0 =	simm.s32 @!p0 $0x3  }
0x16d: {  	_ =	swait.ge @!p0 [sflag:s0], s1  }
0x16e: {  	s1 =	ssub.s32 @!p0 $0x0, s1;
	[sflag:s0] =	ssyncset.done @!p0 $0x0  }
0x16f: {  	[sflag:s0] =	ssyncadd.s32 @!p0 s1  }
0x170: {  	[bflag:$0x3] =	sbarrier.arrive $0xFFFF  }
0x171: {  	_ =	shalt  }

</sc_bundles>
